<compile_context>
chip_gen: v7x
topology: tpu7x:2x2x1
jax: 0.10.2.dev20260603
libtpu: 0.0.44.dev20260713+nightly
codegen_flags: <defaults>
</compile_context>

<pallas_src>
import jax
import jax.numpy as jnp
from jax import lax
from jax.experimental import pallas as pl
from jax.experimental.pallas import tpu as pltpu
from jax.experimental.pallas import tpu_sc as plsc

B, D = 16384, 64
L = 16

NC, NS = 2, 16
NW = NC * NS
SC_N = 4096
CPW = SC_N // NW
DH = D // 2

BC = 2048
TC_STEPS = (B - SC_N) // BC


def _sc_body(u_hbm, ub_hbm, i_hbm, ib_hbm, out_hbm,
             u0_v, u1_v, i0_v, i1_v, ub_v, ib_v, out_v,
             sem_u0, sem_u1, sem_i0, sem_i1):
    wid = lax.axis_index("s") * NC + lax.axis_index("c")
    base = wid * CPW

    cu0 = pltpu.async_copy(
        u_hbm.at[pl.ds(0, DH), pl.ds(base, CPW)], u0_v, sem_u0)
    ci0 = pltpu.async_copy(
        i_hbm.at[pl.ds(0, DH), pl.ds(base, CPW)], i0_v, sem_i0)
    cu1 = pltpu.async_copy(
        u_hbm.at[pl.ds(DH, DH), pl.ds(base, CPW)], u1_v, sem_u1)
    ci1 = pltpu.async_copy(
        i_hbm.at[pl.ds(DH, DH), pl.ds(base, CPW)], i1_v, sem_i1)
    pltpu.sync_copy(ub_hbm.at[pl.ds(base, CPW)], ub_v)
    pltpu.sync_copy(ib_hbm.at[pl.ds(base, CPW)], ib_v)

    def phase(u_v, i_v, first):
        def group(g, _):
            col = g * L
            acc = [u_v[k, pl.ds(col, L)] * i_v[k, pl.ds(col, L)]
                   for k in range(4)]
            for d in range(4, DH):
                acc[d % 4] = acc[d % 4] + (
                    u_v[d, pl.ds(col, L)] * i_v[d, pl.ds(col, L)])
            s = (acc[0] + acc[1]) + (acc[2] + acc[3])
            if first:
                out_v[pl.ds(col, L)] = (
                    s + (ub_v[pl.ds(col, L)] + ib_v[pl.ds(col, L)]))
            else:
                out_v[pl.ds(col, L)] = out_v[pl.ds(col, L)] + s
            return 0
        lax.fori_loop(0, CPW // L, group, 0)

    cu0.wait()
    ci0.wait()
    phase(u0_v, i0_v, True)
    cu1.wait()
    ci1.wait()
    phase(u1_v, i1_v, False)

    pltpu.sync_copy(out_v, out_hbm.at[pl.ds(base, CPW)])


def _tc_body(u_ref, i_ref, ub_ref, ib_ref, o_ref):
    dot = jnp.sum(u_ref[...] * i_ref[...], axis=0)
    o_ref[...] = dot + ub_ref[...] + ib_ref[...]


def kernel(user_representation, user_bias, item_representation, item_bias):
    ut = user_representation.T
    it = item_representation.T

    mesh = plsc.VectorSubcoreMesh(
        core_axis_name="c", subcore_axis_name="s", num_cores=NC)
    sc_fn = pl.kernel(
        _sc_body,
        mesh=mesh,
        out_type=jax.ShapeDtypeStruct((SC_N,), jnp.float32),
        compiler_params=pltpu.CompilerParams(needs_layout_passes=False),
        scratch_types=[
            pltpu.VMEM((DH, CPW), jnp.float32),
            pltpu.VMEM((DH, CPW), jnp.float32),
            pltpu.VMEM((DH, CPW), jnp.float32),
            pltpu.VMEM((DH, CPW), jnp.float32),
            pltpu.VMEM((CPW,), jnp.float32),
            pltpu.VMEM((CPW,), jnp.float32),
            pltpu.VMEM((CPW,), jnp.float32),
            pltpu.SemaphoreType.DMA,
            pltpu.SemaphoreType.DMA,
            pltpu.SemaphoreType.DMA,
            pltpu.SemaphoreType.DMA,
        ],
    )
    off = SC_N // BC
    tc_out = pl.pallas_call(
        _tc_body,
        grid=(TC_STEPS,),
        in_specs=[
            pl.BlockSpec((D, BC), lambda j: (0, off + j)),
            pl.BlockSpec((D, BC), lambda j: (0, off + j)),
            pl.BlockSpec((BC,), lambda j: (off + j,)),
            pl.BlockSpec((BC,), lambda j: (off + j,)),
        ],
        out_specs=pl.BlockSpec((BC,), lambda j: (j,)),
        out_shape=jax.ShapeDtypeStruct((B - SC_N,), jnp.float32),
    )(ut, it, user_bias, item_bias)

    sc_out = sc_fn(ut, user_bias, it, item_bias)
    return jnp.concatenate([sc_out, tc_out])

# --- scband reference (transcript-rebuilt; emitter-appended) ---
"""Pipeline reference for scband-bilinear-net-38165079392815 (READ-ONLY COPY).

The authoritative reference and input builder live on the scoring server;
editing this copy changes nothing except your own understanding.
"""

import jax, jax.numpy as jnp
import numpy as np


def setup_inputs(seed: int = 0) -> dict:
    key = jax.random.key(seed)
    k1, k2, k3, k4 = jax.random.split(key, 4)
    B, D = 16384, 64
    user_representation = jax.random.normal(k1, (B, D), dtype=jnp.float32)
    user_bias = jax.random.normal(k2, (B,), dtype=jnp.float32)
    item_representation = jax.random.normal(k3, (B, D), dtype=jnp.float32)
    item_bias = jax.random.normal(k4, (B,), dtype=jnp.float32)
    return {
        "user_representation": user_representation,
        "user_bias": user_bias,
        "item_representation": item_representation,
        "item_bias": item_bias,
    }


def reference(user_representation, user_bias, item_representation, item_bias):
    # Faithful translation of BilinearNet.forward:
    # dot = (user_representation * item_representation).sum(1)
    # return dot + user_bias + item_bias
    dot = jnp.sum(user_representation * item_representation, axis=1)
    return dot + user_bias + item_bias

if __name__ == "__main__":
    import jax
    _d = setup_inputs()
    print(jax.jit(kernel)(*tuple(_d.values())))

</pallas_src>

<mosaic_0001>
#map = affine_map<(d0, d1) -> (0, 0)>
#map1 = affine_map<(d0, d1) -> (0)>
module attributes {stable_mosaic.version = 14 : i64} {
  func.func @_sc_body(%arg0: i32, %arg1: i32, %arg2: memref<64x16384xf32, #tpu.memory_space<hbm>>, %arg3: memref<16384xf32, #tpu.memory_space<hbm>>, %arg4: memref<64x16384xf32, #tpu.memory_space<hbm>>, %arg5: memref<16384xf32, #tpu.memory_space<hbm>>, %arg6: memref<4096xf32, #tpu.memory_space<hbm>>, %arg7: memref<32x128xf32, #tpu.memory_space<vmem>>, %arg8: memref<32x128xf32, #tpu.memory_space<vmem>>, %arg9: memref<32x128xf32, #tpu.memory_space<vmem>>, %arg10: memref<32x128xf32, #tpu.memory_space<vmem>>, %arg11: memref<128xf32, #tpu.memory_space<vmem>>, %arg12: memref<128xf32, #tpu.memory_space<vmem>>, %arg13: memref<128xf32, #tpu.memory_space<vmem>>, %arg14: memref<!tpu.dma_semaphore, #tpu.memory_space<semaphore_mem>>, %arg15: memref<!tpu.dma_semaphore, #tpu.memory_space<semaphore_mem>>, %arg16: memref<!tpu.dma_semaphore, #tpu.memory_space<semaphore_mem>>, %arg17: memref<!tpu.dma_semaphore, #tpu.memory_space<semaphore_mem>>) attributes {dimension_semantics = [#tpu.dimension_semantics<core_parallel>, #tpu.dimension_semantics<subcore_parallel>], iteration_bounds = array<i64: 2, 16>, scalar_prefetch = 0 : i64, scratch_operands = 11 : i64, tpu.core_type = #tpu.core_type<sc_vector_subcore>, window_params = [{transform_indices = #map}, {transform_indices = #map1}, {transform_indices = #map}, {transform_indices = #map1}, {transform_indices = #map1}]} {
    %mul3A = arith.constant 2 : i32
    %mul3A_0 = arith.muli %arg1, %mul3A : i32
    %add3A = arith.addi %mul3A_0, %arg0 : i32
    %mul3A_1 = arith.constant 128 : i32
    %mul3A_2 = arith.muli %add3A, %mul3A_1 : i32
    %dma_start3A = arith.constant 0 : i32
    %dma_start3A_3 = tpu.memref_slice %arg2[%dma_start3A, %mul3A_2] : memref<64x16384xf32, #tpu.memory_space<hbm>> -> memref<32x128xf32, #tpu.memory_space<hbm>>
    %dma_start3A_4 = arith.constant 0 : i32
    %dma_start3A_5 = tpu.memref_slice %arg2[%dma_start3A_4, %mul3A_2] : memref<64x16384xf32, #tpu.memory_space<hbm>> -> memref<32x128xf32, #tpu.memory_space<hbm>>
    tpu.enqueue_dma source(%dma_start3A_5 : memref<32x128xf32, #tpu.memory_space<hbm>>) target(%arg7 : memref<32x128xf32, #tpu.memory_space<vmem>>) target_semaphore(%arg14 : memref<!tpu.dma_semaphore, #tpu.memory_space<semaphore_mem>>)
    %dma_start3A_6 = arith.constant 0 : i32
    %dma_start3A_7 = tpu.memref_slice %arg4[%dma_start3A_6, %mul3A_2] : memref<64x16384xf32, #tpu.memory_space<hbm>> -> memref<32x128xf32, #tpu.memory_space<hbm>>
    %dma_start3A_8 = arith.constant 0 : i32
    %dma_start3A_9 = tpu.memref_slice %arg4[%dma_start3A_8, %mul3A_2] : memref<64x16384xf32, #tpu.memory_space<hbm>> -> memref<32x128xf32, #tpu.memory_space<hbm>>
    tpu.enqueue_dma source(%dma_start3A_9 : memref<32x128xf32, #tpu.memory_space<hbm>>) target(%arg9 : memref<32x128xf32, #tpu.memory_space<vmem>>) target_semaphore(%arg16 : memref<!tpu.dma_semaphore, #tpu.memory_space<semaphore_mem>>)
    %dma_start3A_10 = arith.constant 32 : i32
    %dma_start3A_11 = tpu.memref_slice %arg2[%dma_start3A_10, %mul3A_2] : memref<64x16384xf32, #tpu.memory_space<hbm>> -> memref<32x128xf32, #tpu.memory_space<hbm>>
    %dma_start3A_12 = arith.constant 32 : i32
    %dma_start3A_13 = tpu.memref_slice %arg2[%dma_start3A_12, %mul3A_2] : memref<64x16384xf32, #tpu.memory_space<hbm>> -> memref<32x128xf32, #tpu.memory_space<hbm>>
    tpu.enqueue_dma source(%dma_start3A_13 : memref<32x128xf32, #tpu.memory_space<hbm>>) target(%arg8 : memref<32x128xf32, #tpu.memory_space<vmem>>) target_semaphore(%arg15 : memref<!tpu.dma_semaphore, #tpu.memory_space<semaphore_mem>>)
    %dma_start3A_14 = arith.constant 32 : i32
    %dma_start3A_15 = tpu.memref_slice %arg4[%dma_start3A_14, %mul3A_2] : memref<64x16384xf32, #tpu.memory_space<hbm>> -> memref<32x128xf32, #tpu.memory_space<hbm>>
    %dma_start3A_16 = arith.constant 32 : i32
    %dma_start3A_17 = tpu.memref_slice %arg4[%dma_start3A_16, %mul3A_2] : memref<64x16384xf32, #tpu.memory_space<hbm>> -> memref<32x128xf32, #tpu.memory_space<hbm>>
    tpu.enqueue_dma source(%dma_start3A_17 : memref<32x128xf32, #tpu.memory_space<hbm>>) target(%arg10 : memref<32x128xf32, #tpu.memory_space<vmem>>) target_semaphore(%arg17 : memref<!tpu.dma_semaphore, #tpu.memory_space<semaphore_mem>>)
    "tpu.region"() ({
      %run_scoped3A = tpu.sem_alloc : memref<!tpu.dma_semaphore, #tpu.memory_space<semaphore_mem>>
      %dma_start3A_46 = tpu.memref_slice %arg3[%mul3A_2] : memref<16384xf32, #tpu.memory_space<hbm>> -> memref<128xf32, #tpu.memory_space<hbm>>
      %dma_start3A_47 = tpu.memref_slice %arg3[%mul3A_2] : memref<16384xf32, #tpu.memory_space<hbm>> -> memref<128xf32, #tpu.memory_space<hbm>>
      tpu.enqueue_dma source(%dma_start3A_47 : memref<128xf32, #tpu.memory_space<hbm>>) target(%arg11 : memref<128xf32, #tpu.memory_space<vmem>>) target_semaphore(%run_scoped3A : memref<!tpu.dma_semaphore, #tpu.memory_space<semaphore_mem>>)
      %dma_wait3A_48 = tpu.memref_slice %arg3[%mul3A_2] : memref<16384xf32, #tpu.memory_space<hbm>> -> memref<128xf32, #tpu.memory_space<hbm>>
      %dma_wait3A_49 = tpu.memref_slice %arg3[%mul3A_2] : memref<16384xf32, #tpu.memory_space<hbm>> -> memref<128xf32, #tpu.memory_space<hbm>>
      tpu.wait_dma2 semaphore(%run_scoped3A : memref<!tpu.dma_semaphore, #tpu.memory_space<semaphore_mem>>) src(%dma_wait3A_49 : memref<128xf32, #tpu.memory_space<hbm>>) dst(%arg11 : memref<128xf32, #tpu.memory_space<vmem>>)
      tpu.yield
    }) : () -> ()
    "tpu.region"() ({
      %run_scoped3A = tpu.sem_alloc : memref<!tpu.dma_semaphore, #tpu.memory_space<semaphore_mem>>
      %dma_start3A_46 = tpu.memref_slice %arg5[%mul3A_2] : memref<16384xf32, #tpu.memory_space<hbm>> -> memref<128xf32, #tpu.memory_space<hbm>>
      %dma_start3A_47 = tpu.memref_slice %arg5[%mul3A_2] : memref<16384xf32, #tpu.memory_space<hbm>> -> memref<128xf32, #tpu.memory_space<hbm>>
      tpu.enqueue_dma source(%dma_start3A_47 : memref<128xf32, #tpu.memory_space<hbm>>) target(%arg12 : memref<128xf32, #tpu.memory_space<vmem>>) target_semaphore(%run_scoped3A : memref<!tpu.dma_semaphore, #tpu.memory_space<semaphore_mem>>)
      %dma_wait3A_48 = tpu.memref_slice %arg5[%mul3A_2] : memref<16384xf32, #tpu.memory_space<hbm>> -> memref<128xf32, #tpu.memory_space<hbm>>
      %dma_wait3A_49 = tpu.memref_slice %arg5[%mul3A_2] : memref<16384xf32, #tpu.memory_space<hbm>> -> memref<128xf32, #tpu.memory_space<hbm>>
      tpu.wait_dma2 semaphore(%run_scoped3A : memref<!tpu.dma_semaphore, #tpu.memory_space<semaphore_mem>>) src(%dma_wait3A_49 : memref<128xf32, #tpu.memory_space<hbm>>) dst(%arg12 : memref<128xf32, #tpu.memory_space<vmem>>)
      tpu.yield
    }) : () -> ()
    %dma_wait3A = arith.constant 0 : i32
    %dma_wait3A_18 = tpu.memref_slice %arg2[%dma_wait3A, %mul3A_2] : memref<64x16384xf32, #tpu.memory_space<hbm>> -> memref<32x128xf32, #tpu.memory_space<hbm>>
    %dma_wait3A_19 = arith.constant 0 : i32
    %dma_wait3A_20 = tpu.memref_slice %arg2[%dma_wait3A_19, %mul3A_2] : memref<64x16384xf32, #tpu.memory_space<hbm>> -> memref<32x128xf32, #tpu.memory_space<hbm>>
    tpu.wait_dma2 semaphore(%arg14 : memref<!tpu.dma_semaphore, #tpu.memory_space<semaphore_mem>>) src(%dma_wait3A_20 : memref<32x128xf32, #tpu.memory_space<hbm>>) dst(%arg7 : memref<32x128xf32, #tpu.memory_space<vmem>>)
    %dma_wait3A_21 = arith.constant 0 : i32
    %dma_wait3A_22 = tpu.memref_slice %arg4[%dma_wait3A_21, %mul3A_2] : memref<64x16384xf32, #tpu.memory_space<hbm>> -> memref<32x128xf32, #tpu.memory_space<hbm>>
    %dma_wait3A_23 = arith.constant 0 : i32
    %dma_wait3A_24 = tpu.memref_slice %arg4[%dma_wait3A_23, %mul3A_2] : memref<64x16384xf32, #tpu.memory_space<hbm>> -> memref<32x128xf32, #tpu.memory_space<hbm>>
    tpu.wait_dma2 semaphore(%arg16 : memref<!tpu.dma_semaphore, #tpu.memory_space<semaphore_mem>>) src(%dma_wait3A_24 : memref<32x128xf32, #tpu.memory_space<hbm>>) dst(%arg9 : memref<32x128xf32, #tpu.memory_space<vmem>>)
    %scan3A = arith.constant 0 : i32
    %scan3A_25 = arith.constant 0 : i32
    %scan3A_26 = arith.constant 8 : i32
    %scan3A_27 = arith.addi %scan3A_25, %scan3A_26 : i32
    %scan3A_28 = arith.constant 1 : i32
    %scan3A_29 = scf.for %scan3A_46 = %scan3A_25 to %scan3A_27 step %scan3A_28 iter_args(%scan3A_47 = %scan3A) -> (i32)  : i32 {
      %mul3A_48 = arith.constant 16 : i32
      %mul3A_49 = arith.muli %scan3A_46, %mul3A_48 : i32
      %get3A = arith.constant 0 : i32
      %get3A_50 = arith.index_cast %get3A : i32 to index
      %get3A_51 = arith.index_cast %mul3A_49 : i32 to index
      %get3A_52 = tpu.vector_load %arg7[%get3A_50, %get3A_51] {strides = array<i32>} : memref<32x128xf32, #tpu.memory_space<vmem>>, vector<16xf32>,
      %get3A_53 = arith.constant 0 : i32
      %get3A_54 = arith.index_cast %get3A_53 : i32 to index
      %get3A_55 = arith.index_cast %mul3A_49 : i32 to index
      %get3A_56 = tpu.vector_load %arg9[%get3A_54, %get3A_55] {strides = array<i32>} : memref<32x128xf32, #tpu.memory_space<vmem>>, vector<16xf32>,
      %mul3A_57 = arith.mulf %get3A_52, %get3A_56 : vector<16xf32>
      %get3A_58 = arith.constant 1 : i32
      %get3A_59 = arith.index_cast %get3A_58 : i32 to index
      %get3A_60 = arith.index_cast %mul3A_49 : i32 to index
      %get3A_61 = tpu.vector_load %arg7[%get3A_59, %get3A_60] {strides = array<i32>} : memref<32x128xf32, #tpu.memory_space<vmem>>, vector<16xf32>,
      %get3A_62 = arith.constant 1 : i32
      %get3A_63 = arith.index_cast %get3A_62 : i32 to index
      %get3A_64 = arith.index_cast %mul3A_49 : i32 to index
      %get3A_65 = tpu.vector_load %arg9[%get3A_63, %get3A_64] {strides = array<i32>} : memref<32x128xf32, #tpu.memory_space<vmem>>, vector<16xf32>,
      %mul3A_66 = arith.mulf %get3A_61, %get3A_65 : vector<16xf32>
      %get3A_67 = arith.constant 2 : i32
      %get3A_68 = arith.index_cast %get3A_67 : i32 to index
      %get3A_69 = arith.index_cast %mul3A_49 : i32 to index
      %get3A_70 = tpu.vector_load %arg7[%get3A_68, %get3A_69] {strides = array<i32>} : memref<32x128xf32, #tpu.memory_space<vmem>>, vector<16xf32>,
      %get3A_71 = arith.constant 2 : i32
      %get3A_72 = arith.index_cast %get3A_71 : i32 to index
      %get3A_73 = arith.index_cast %mul3A_49 : i32 to index
      %get3A_74 = tpu.vector_load %arg9[%get3A_72, %get3A_73] {strides = array<i32>} : memref<32x128xf32, #tpu.memory_space<vmem>>, vector<16xf32>,
      %mul3A_75 = arith.mulf %get3A_70, %get3A_74 : vector<16xf32>
      %get3A_76 = arith.constant 3 : i32
      %get3A_77 = arith.index_cast %get3A_76 : i32 to index
      %get3A_78 = arith.index_cast %mul3A_49 : i32 to index
      %get3A_79 = tpu.vector_load %arg7[%get3A_77, %get3A_78] {strides = array<i32>} : memref<32x128xf32, #tpu.memory_space<vmem>>, vector<16xf32>,
      %get3A_80 = arith.constant 3 : i32
      %get3A_81 = arith.index_cast %get3A_80 : i32 to index
      %get3A_82 = arith.index_cast %mul3A_49 : i32 to index
      %get3A_83 = tpu.vector_load %arg9[%get3A_81, %get3A_82] {strides = array<i32>} : memref<32x128xf32, #tpu.memory_space<vmem>>, vector<16xf32>,
      %mul3A_84 = arith.mulf %get3A_79, %get3A_83 : vector<16xf32>
      %get3A_85 = arith.constant 4 : i32
      %get3A_86 = arith.index_cast %get3A_85 : i32 to index
      %get3A_87 = arith.index_cast %mul3A_49 : i32 to index
      %get3A_88 = tpu.vector_load %arg7[%get3A_86, %get3A_87] {strides = array<i32>} : memref<32x128xf32, #tpu.memory_space<vmem>>, vector<16xf32>,
      %get3A_89 = arith.constant 4 : i32
      %get3A_90 = arith.index_cast %get3A_89 : i32 to index
      %get3A_91 = arith.index_cast %mul3A_49 : i32 to index
      %get3A_92 = tpu.vector_load %arg9[%get3A_90, %get3A_91] {strides = array<i32>} : memref<32x128xf32, #tpu.memory_space<vmem>>, vector<16xf32>,
      %mul3A_93 = arith.mulf %get3A_88, %get3A_92 : vector<16xf32>
      %add3A_94 = arith.addf %mul3A_57, %mul3A_93 : vector<16xf32>
      %get3A_95 = arith.constant 5 : i32
      %get3A_96 = arith.index_cast %get3A_95 : i32 to index
      %get3A_97 = arith.index_cast %mul3A_49 : i32 to index
      %get3A_98 = tpu.vector_load %arg7[%get3A_96, %get3A_97] {strides = array<i32>} : memref<32x128xf32, #tpu.memory_space<vmem>>, vector<16xf32>,
      %get3A_99 = arith.constant 5 : i32
      %get3A_100 = arith.index_cast %get3A_99 : i32 to index
      %get3A_101 = arith.index_cast %mul3A_49 : i32 to index
      %get3A_102 = tpu.vector_load %arg9[%get3A_100, %get3A_101] {strides = array<i32>} : memref<32x128xf32, #tpu.memory_space<vmem>>, vector<16xf32>,
      %mul3A_103 = arith.mulf %get3A_98, %get3A_102 : vector<16xf32>
      %add3A_104 = arith.addf %mul3A_66, %mul3A_103 : vector<16xf32>
      %get3A_105 = arith.constant 6 : i32
      %get3A_106 = arith.index_cast %get3A_105 : i32 to index
      %get3A_107 = arith.index_cast %mul3A_49 : i32 to index
      %get3A_108 = tpu.vector_load %arg7[%get3A_106, %get3A_107] {strides = array<i32>} : memref<32x128xf32, #tpu.memory_space<vmem>>, vector<16xf32>,
      %get3A_109 = arith.constant 6 : i32
      %get3A_110 = arith.index_cast %get3A_109 : i32 to index
      %get3A_111 = arith.index_cast %mul3A_49 : i32 to index
      %get3A_112 = tpu.vector_load %arg9[%get3A_110, %get3A_111] {strides = array<i32>} : memref<32x128xf32, #tpu.memory_space<vmem>>, vector<16xf32>,
      %mul3A_113 = arith.mulf %get3A_108, %get3A_112 : vector<16xf32>
      %add3A_114 = arith.addf %mul3A_75, %mul3A_113 : vector<16xf32>
      %get3A_115 = arith.constant 7 : i32
      %get3A_116 = arith.index_cast %get3A_115 : i32 to index
      %get3A_117 = arith.index_cast %mul3A_49 : i32 to index
      %get3A_118 = tpu.vector_load %arg7[%get3A_116, %get3A_117] {strides = array<i32>} : memref<32x128xf32, #tpu.memory_space<vmem>>, vector<16xf32>,
      %get3A_119 = arith.constant 7 : i32
      %get3A_120 = arith.index_cast %get3A_119 : i32 to index
      %get3A_121 = arith.index_cast %mul3A_49 : i32 to index
      %get3A_122 = tpu.vector_load %arg9[%get3A_120, %get3A_121] {strides = array<i32>} : memref<32x128xf32, #tpu.memory_space<vmem>>, vector<16xf32>,
      %mul3A_123 = arith.mulf %get3A_118, %get3A_122 : vector<16xf32>
      %add3A_124 = arith.addf %mul3A_84, %mul3A_123 : vector<16xf32>
      %get3A_125 = arith.constant 8 : i32
      %get3A_126 = arith.index_cast %get3A_125 : i32 to index
      %get3A_127 = arith.index_cast %mul3A_49 : i32 to index
      %get3A_128 = tpu.vector_load %arg7[%get3A_126, %get3A_127] {strides = array<i32>} : memref<32x128xf32, #tpu.memory_space<vmem>>, vector<16xf32>,
      %get3A_129 = arith.constant 8 : i32
      %get3A_130 = arith.index_cast %get3A_129 : i32 to index
      %get3A_131 = arith.index_cast %mul3A_49 : i32 to index
      %get3A_132 = tpu.vector_load %arg9[%get3A_130, %get3A_131] {strides = array<i32>} : memref<32x128xf32, #tpu.memory_space<vmem>>, vector<16xf32>,
      %mul3A_133 = arith.mulf %get3A_128, %get3A_132 : vector<16xf32>
      %add3A_134 = arith.addf %add3A_94, %mul3A_133 : vector<16xf32>
      %get3A_135 = arith.constant 9 : i32
      %get3A_136 = arith.index_cast %get3A_135 : i32 to index
      %get3A_137 = arith.index_cast %mul3A_49 : i32 to index
      %get3A_138 = tpu.vector_load %arg7[%get3A_136, %get3A_137] {strides = array<i32>} : memref<32x128xf32, #tpu.memory_space<vmem>>, vector<16xf32>,
      %get3A_139 = arith.constant 9 : i32
      %get3A_140 = arith.index_cast %get3A_139 : i32 to index
      %get3A_141 = arith.index_cast %mul3A_49 : i32 to index
      %get3A_142 = tpu.vector_load %arg9[%get3A_140, %get3A_141] {strides = array<i32>} : memref<32x128xf32, #tpu.memory_space<vmem>>, vector<16xf32>,
      %mul3A_143 = arith.mulf %get3A_138, %get3A_142 : vector<16xf32>
      %add3A_144 = arith.addf %add3A_104, %mul3A_143 : vector<16xf32>
      %get3A_145 = arith.constant 10 : i32
      %get3A_146 = arith.index_cast %get3A_145 : i32 to index
      %get3A_147 = arith.index_cast %mul3A_49 : i32 to index
      %get3A_148 = tpu.vector_load %arg7[%get3A_146, %get3A_147] {strides = array<i32>} : memref<32x128xf32, #tpu.memory_space<vmem>>, vector<16xf32>,
      %get3A_149 = arith.constant 10 : i32
      %get3A_150 = arith.index_cast %get3A_149 : i32 to index
      %get3A_151 = arith.index_cast %mul3A_49 : i32 to index
      %get3A_152 = tpu.vector_load %arg9[%get3A_150, %get3A_151] {strides = array<i32>} : memref<32x128xf32, #tpu.memory_space<vmem>>, vector<16xf32>,
      %mul3A_153 = arith.mulf %get3A_148, %get3A_152 : vector<16xf32>
      %add3A_154 = arith.addf %add3A_114, %mul3A_153 : vector<16xf32>
      %get3A_155 = arith.constant 11 : i32
      %get3A_156 = arith.index_cast %get3A_155 : i32 to index
      %get3A_157 = arith.index_cast %mul3A_49 : i32 to index
      %get3A_158 = tpu.vector_load %arg7[%get3A_156, %get3A_157] {strides = array<i32>} : memref<32x128xf32, #tpu.memory_space<vmem>>, vector<16xf32>,
      %get3A_159 = arith.constant 11 : i32
      %get3A_160 = arith.index_cast %get3A_159 : i32 to index
      %get3A_161 = arith.index_cast %mul3A_49 : i32 to index
      %get3A_162 = tpu.vector_load %arg9[%get3A_160, %get3A_161] {strides = array<i32>} : memref<32x128xf32, #tpu.memory_space<vmem>>, vector<16xf32>,
      %mul3A_163 = arith.mulf %get3A_158, %get3A_162 : vector<16xf32>
      %add3A_164 = arith.addf %add3A_124, %mul3A_163 : vector<16xf32>
      %get3A_165 = arith.constant 12 : i32
      %get3A_166 = arith.index_cast %get3A_165 : i32 to index
      %get3A_167 = arith.index_cast %mul3A_49 : i32 to index
      %get3A_168 = tpu.vector_load %arg7[%get3A_166, %get3A_167] {strides = array<i32>} : memref<32x128xf32, #tpu.memory_space<vmem>>, vector<16xf32>,
      %get3A_169 = arith.constant 12 : i32
      %get3A_170 = arith.index_cast %get3A_169 : i32 to index
      %get3A_171 = arith.index_cast %mul3A_49 : i32 to index
      %get3A_172 = tpu.vector_load %arg9[%get3A_170, %get3A_171] {strides = array<i32>} : memref<32x128xf32, #tpu.memory_space<vmem>>, vector<16xf32>,
      %mul3A_173 = arith.mulf %get3A_168, %get3A_172 : vector<16xf32>
      %add3A_174 = arith.addf %add3A_134, %mul3A_173 : vector<16xf32>
      %get3A_175 = arith.constant 13 : i32
      %get3A_176 = arith.index_cast %get3A_175 : i32 to index
      %get3A_177 = arith.index_cast %mul3A_49 : i32 to index
      %get3A_178 = tpu.vector_load %arg7[%get3A_176, %get3A_177] {strides = array<i32>} : memref<32x128xf32, #tpu.memory_space<vmem>>, vector<16xf32>,
      %get3A_179 = arith.constant 13 : i32
      %get3A_180 = arith.index_cast %get3A_179 : i32 to index
      %get3A_181 = arith.index_cast %mul3A_49 : i32 to index
      %get3A_182 = tpu.vector_load %arg9[%get3A_180, %get3A_181] {strides = array<i32>} : memref<32x128xf32, #tpu.memory_space<vmem>>, vector<16xf32>,
      %mul3A_183 = arith.mulf %get3A_178, %get3A_182 : vector<16xf32>
      %add3A_184 = arith.addf %add3A_144, %mul3A_183 : vector<16xf32>
      %get3A_185 = arith.constant 14 : i32
      %get3A_186 = arith.index_cast %get3A_185 : i32 to index
      %get3A_187 = arith.index_cast %mul3A_49 : i32 to index
      %get3A_188 = tpu.vector_load %arg7[%get3A_186, %get3A_187] {strides = array<i32>} : memref<32x128xf32, #tpu.memory_space<vmem>>, vector<16xf32>,
      %get3A_189 = arith.constant 14 : i32
      %get3A_190 = arith.index_cast %get3A_189 : i32 to index
      %get3A_191 = arith.index_cast %mul3A_49 : i32 to index
      %get3A_192 = tpu.vector_load %arg9[%get3A_190, %get3A_191] {strides = array<i32>} : memref<32x128xf32, #tpu.memory_space<vmem>>, vector<16xf32>,
      %mul3A_193 = arith.mulf %get3A_188, %get3A_192 : vector<16xf32>
      %add3A_194 = arith.addf %add3A_154, %mul3A_193 : vector<16xf32>
      %get3A_195 = arith.constant 15 : i32
      %get3A_196 = arith.index_cast %get3A_195 : i32 to index
      %get3A_197 = arith.index_cast %mul3A_49 : i32 to index
      %get3A_198 = tpu.vector_load %arg7[%get3A_196, %get3A_197] {strides = array<i32>} : memref<32x128xf32, #tpu.memory_space<vmem>>, vector<16xf32>,
      %get3A_199 = arith.constant 15 : i32
      %get3A_200 = arith.index_cast %get3A_199 : i32 to index
      %get3A_201 = arith.index_cast %mul3A_49 : i32 to index
      %get3A_202 = tpu.vector_load %arg9[%get3A_200, %get3A_201] {strides = array<i32>} : memref<32x128xf32, #tpu.memory_space<vmem>>, vector<16xf32>,
      %mul3A_203 = arith.mulf %get3A_198, %get3A_202 : vector<16xf32>
      %add3A_204 = arith.addf %add3A_164, %mul3A_203 : vector<16xf32>
      %get3A_205 = arith.constant 16 : i32
      %get3A_206 = arith.index_cast %get3A_205 : i32 to index
      %get3A_207 = arith.index_cast %mul3A_49 : i32 to index
      %get3A_208 = tpu.vector_load %arg7[%get3A_206, %get3A_207] {strides = array<i32>} : memref<32x128xf32, #tpu.memory_space<vmem>>, vector<16xf32>,
      %get3A_209 = arith.constant 16 : i32
      %get3A_210 = arith.index_cast %get3A_209 : i32 to index
      %get3A_211 = arith.index_cast %mul3A_49 : i32 to index
      %get3A_212 = tpu.vector_load %arg9[%get3A_210, %get3A_211] {strides = array<i32>} : memref<32x128xf32, #tpu.memory_space<vmem>>, vector<16xf32>,
      %mul3A_213 = arith.mulf %get3A_208, %get3A_212 : vector<16xf32>
      %add3A_214 = arith.addf %add3A_174, %mul3A_213 : vector<16xf32>
      %get3A_215 = arith.constant 17 : i32
      %get3A_216 = arith.index_cast %get3A_215 : i32 to index
      %get3A_217 = arith.index_cast %mul3A_49 : i32 to index
      %get3A_218 = tpu.vector_load %arg7[%get3A_216, %get3A_217] {strides = array<i32>} : memref<32x128xf32, #tpu.memory_space<vmem>>, vector<16xf32>,
      %get3A_219 = arith.constant 17 : i32
      %get3A_220 = arith.index_cast %get3A_219 : i32 to index
      %get3A_221 = arith.index_cast %mul3A_49 : i32 to index
      %get3A_222 = tpu.vector_load %arg9[%get3A_220, %get3A_221] {strides = array<i32>} : memref<32x128xf32, #tpu.memory_space<vmem>>, vector<16xf32>,
      %mul3A_223 = arith.mulf %get3A_218, %get3A_222 : vector<16xf32>
      %add3A_224 = arith.addf %add3A_184, %mul3A_223 : vector<16xf32>
      %get3A_225 = arith.constant 18 : i32
      %get3A_226 = arith.index_cast %get3A_225 : i32 to index
      %get3A_227 = arith.index_cast %mul3A_49 : i32 to index
      %get3A_228 = tpu.vector_load %arg7[%get3A_226, %get3A_227] {strides = array<i32>} : memref<32x128xf32, #tpu.memory_space<vmem>>, vector<16xf32>,
      %get3A_229 = arith.constant 18 : i32
      %get3A_230 = arith.index_cast %get3A_229 : i32 to index
      %get3A_231 = arith.index_cast %mul3A_49 : i32 to index
      %get3A_232 = tpu.vector_load %arg9[%get3A_230, %get3A_231] {strides = array<i32>} : memref<32x128xf32, #tpu.memory_space<vmem>>, vector<16xf32>,
      %mul3A_233 = arith.mulf %get3A_228, %get3A_232 : vector<16xf32>
      %add3A_234 = arith.addf %add3A_194, %mul3A_233 : vector<16xf32>
      %get3A_235 = arith.constant 19 : i32
      %get3A_236 = arith.index_cast %get3A_235 : i32 to index
      %get3A_237 = arith.index_cast %mul3A_49 : i32 to index
      %get3A_238 = tpu.vector_load %arg7[%get3A_236, %get3A_237] {strides = array<i32>} : memref<32x128xf32, #tpu.memory_space<vmem>>, vector<16xf32>,
      %get3A_239 = arith.constant 19 : i32
      %get3A_240 = arith.index_cast %get3A_239 : i32 to index
      %get3A_241 = arith.index_cast %mul3A_49 : i32 to index
      %get3A_242 = tpu.vector_load %arg9[%get3A_240, %get3A_241] {strides = array<i32>} : memref<32x128xf32, #tpu.memory_space<vmem>>, vector<16xf32>,
      %mul3A_243 = arith.mulf %get3A_238, %get3A_242 : vector<16xf32>
      %add3A_244 = arith.addf %add3A_204, %mul3A_243 : vector<16xf32>
      %get3A_245 = arith.constant 20 : i32
      %get3A_246 = arith.index_cast %get3A_245 : i32 to index
      %get3A_247 = arith.index_cast %mul3A_49 : i32 to index
      %get3A_248 = tpu.vector_load %arg7[%get3A_246, %get3A_247] {strides = array<i32>} : memref<32x128xf32, #tpu.memory_space<vmem>>, vector<16xf32>,
      %get3A_249 = arith.constant 20 : i32
      %get3A_250 = arith.index_cast %get3A_249 : i32 to index
      %get3A_251 = arith.index_cast %mul3A_49 : i32 to index
      %get3A_252 = tpu.vector_load %arg9[%get3A_250, %get3A_251] {strides = array<i32>} : memref<32x128xf32, #tpu.memory_space<vmem>>, vector<16xf32>,
      %mul3A_253 = arith.mulf %get3A_248, %get3A_252 : vector<16xf32>
      %add3A_254 = arith.addf %add3A_214, %mul3A_253 : vector<16xf32>
      %get3A_255 = arith.constant 21 : i32
      %get3A_256 = arith.index_cast %get3A_255 : i32 to index
      %get3A_257 = arith.index_cast %mul3A_49 : i32 to index
      %get3A_258 = tpu.vector_load %arg7[%get3A_256, %get3A_257] {strides = array<i32>} : memref<32x128xf32, #tpu.memory_space<vmem>>, vector<16xf32>,
      %get3A_259 = arith.constant 21 : i32
      %get3A_260 = arith.index_cast %get3A_259 : i32 to index
      %get3A_261 = arith.index_cast %mul3A_49 : i32 to index
      %get3A_262 = tpu.vector_load %arg9[%get3A_260, %get3A_261] {strides = array<i32>} : memref<32x128xf32, #tpu.memory_space<vmem>>, vector<16xf32>,
      %mul3A_263 = arith.mulf %get3A_258, %get3A_262 : vector<16xf32>
      %add3A_264 = arith.addf %add3A_224, %mul3A_263 : vector<16xf32>
      %get3A_265 = arith.constant 22 : i32
      %get3A_266 = arith.index_cast %get3A_265 : i32 to index
      %get3A_267 = arith.index_cast %mul3A_49 : i32 to index
      %get3A_268 = tpu.vector_load %arg7[%get3A_266, %get3A_267] {strides = array<i32>} : memref<32x128xf32, #tpu.memory_space<vmem>>, vector<16xf32>,
      %get3A_269 = arith.constant 22 : i32
      %get3A_270 = arith.index_cast %get3A_269 : i32 to index
      %get3A_271 = arith.index_cast %mul3A_49 : i32 to index
      %get3A_272 = tpu.vector_load %arg9[%get3A_270, %get3A_271] {strides = array<i32>} : memref<32x128xf32, #tpu.memory_space<vmem>>, vector<16xf32>,
      %mul3A_273 = arith.mulf %get3A_268, %get3A_272 : vector<16xf32>
      %add3A_274 = arith.addf %add3A_234, %mul3A_273 : vector<16xf32>
      %get3A_275 = arith.constant 23 : i32
      %get3A_276 = arith.index_cast %get3A_275 : i32 to index
      %get3A_277 = arith.index_cast %mul3A_49 : i32 to index
      %get3A_278 = tpu.vector_load %arg7[%get3A_276, %get3A_277] {strides = array<i32>} : memref<32x128xf32, #tpu.memory_space<vmem>>, vector<16xf32>,
      %get3A_279 = arith.constant 23 : i32
      %get3A_280 = arith.index_cast %get3A_279 : i32 to index
      %get3A_281 = arith.index_cast %mul3A_49 : i32 to index
      %get3A_282 = tpu.vector_load %arg9[%get3A_280, %get3A_281] {strides = array<i32>} : memref<32x128xf32, #tpu.memory_space<vmem>>, vector<16xf32>,
      %mul3A_283 = arith.mulf %get3A_278, %get3A_282 : vector<16xf32>
      %add3A_284 = arith.addf %add3A_244, %mul3A_283 : vector<16xf32>
      %get3A_285 = arith.constant 24 : i32
      %get3A_286 = arith.index_cast %get3A_285 : i32 to index
      %get3A_287 = arith.index_cast %mul3A_49 : i32 to index
      %get3A_288 = tpu.vector_load %arg7[%get3A_286, %get3A_287] {strides = array<i32>} : memref<32x128xf32, #tpu.memory_space<vmem>>, vector<16xf32>,
      %get3A_289 = arith.constant 24 : i32
      %get3A_290 = arith.index_cast %get3A_289 : i32 to index
      %get3A_291 = arith.index_cast %mul3A_49 : i32 to index
      %get3A_292 = tpu.vector_load %arg9[%get3A_290, %get3A_291] {strides = array<i32>} : memref<32x128xf32, #tpu.memory_space<vmem>>, vector<16xf32>,
      %mul3A_293 = arith.mulf %get3A_288, %get3A_292 : vector<16xf32>
      %add3A_294 = arith.addf %add3A_254, %mul3A_293 : vector<16xf32>
      %get3A_295 = arith.constant 25 : i32
      %get3A_296 = arith.index_cast %get3A_295 : i32 to index
      %get3A_297 = arith.index_cast %mul3A_49 : i32 to index
      %get3A_298 = tpu.vector_load %arg7[%get3A_296, %get3A_297] {strides = array<i32>} : memref<32x128xf32, #tpu.memory_space<vmem>>, vector<16xf32>,
      %get3A_299 = arith.constant 25 : i32
      %get3A_300 = arith.index_cast %get3A_299 : i32 to index
      %get3A_301 = arith.index_cast %mul3A_49 : i32 to index
      %get3A_302 = tpu.vector_load %arg9[%get3A_300, %get3A_301] {strides = array<i32>} : memref<32x128xf32, #tpu.memory_space<vmem>>, vector<16xf32>,
      %mul3A_303 = arith.mulf %get3A_298, %get3A_302 : vector<16xf32>
      %add3A_304 = arith.addf %add3A_264, %mul3A_303 : vector<16xf32>
      %get3A_305 = arith.constant 26 : i32
      %get3A_306 = arith.index_cast %get3A_305 : i32 to index
      %get3A_307 = arith.index_cast %mul3A_49 : i32 to index
      %get3A_308 = tpu.vector_load %arg7[%get3A_306, %get3A_307] {strides = array<i32>} : memref<32x128xf32, #tpu.memory_space<vmem>>, vector<16xf32>,
      %get3A_309 = arith.constant 26 : i32
      %get3A_310 = arith.index_cast %get3A_309 : i32 to index
      %get3A_311 = arith.index_cast %mul3A_49 : i32 to index
      %get3A_312 = tpu.vector_load %arg9[%get3A_310, %get3A_311] {strides = array<i32>} : memref<32x128xf32, #tpu.memory_space<vmem>>, vector<16xf32>,
      %mul3A_313 = arith.mulf %get3A_308, %get3A_312 : vector<16xf32>
      %add3A_314 = arith.addf %add3A_274, %mul3A_313 : vector<16xf32>
      %get3A_315 = arith.constant 27 : i32
      %get3A_316 = arith.index_cast %get3A_315 : i32 to index
      %get3A_317 = arith.index_cast %mul3A_49 : i32 to index
      %get3A_318 = tpu.vector_load %arg7[%get3A_316, %get3A_317] {strides = array<i32>} : memref<32x128xf32, #tpu.memory_space<vmem>>, vector<16xf32>,
      %get3A_319 = arith.constant 27 : i32
      %get3A_320 = arith.index_cast %get3A_319 : i32 to index
      %get3A_321 = arith.index_cast %mul3A_49 : i32 to index
      %get3A_322 = tpu.vector_load %arg9[%get3A_320, %get3A_321] {strides = array<i32>} : memref<32x128xf32, #tpu.memory_space<vmem>>, vector<16xf32>,
      %mul3A_323 = arith.mulf %get3A_318, %get3A_322 : vector<16xf32>
      %add3A_324 = arith.addf %add3A_284, %mul3A_323 : vector<16xf32>
      %get3A_325 = arith.constant 28 : i32
      %get3A_326 = arith.index_cast %get3A_325 : i32 to index
      %get3A_327 = arith.index_cast %mul3A_49 : i32 to index
      %get3A_328 = tpu.vector_load %arg7[%get3A_326, %get3A_327] {strides = array<i32>} : memref<32x128xf32, #tpu.memory_space<vmem>>, vector<16xf32>,
      %get3A_329 = arith.constant 28 : i32
      %get3A_330 = arith.index_cast %get3A_329 : i32 to index
      %get3A_331 = arith.index_cast %mul3A_49 : i32 to index
      %get3A_332 = tpu.vector_load %arg9[%get3A_330, %get3A_331] {strides = array<i32>} : memref<32x128xf32, #tpu.memory_space<vmem>>, vector<16xf32>,
      %mul3A_333 = arith.mulf %get3A_328, %get3A_332 : vector<16xf32>
      %add3A_334 = arith.addf %add3A_294, %mul3A_333 : vector<16xf32>
      %get3A_335 = arith.constant 29 : i32
      %get3A_336 = arith.index_cast %get3A_335 : i32 to index
      %get3A_337 = arith.index_cast %mul3A_49 : i32 to index
      %get3A_338 = tpu.vector_load %arg7[%get3A_336, %get3A_337] {strides = array<i32>} : memref<32x128xf32, #tpu.memory_space<vmem>>, vector<16xf32>,
      %get3A_339 = arith.constant 29 : i32
      %get3A_340 = arith.index_cast %get3A_339 : i32 to index
      %get3A_341 = arith.index_cast %mul3A_49 : i32 to index
      %get3A_342 = tpu.vector_load %arg9[%get3A_340, %get3A_341] {strides = array<i32>} : memref<32x128xf32, #tpu.memory_space<vmem>>, vector<16xf32>,
      %mul3A_343 = arith.mulf %get3A_338, %get3A_342 : vector<16xf32>
      %add3A_344 = arith.addf %add3A_304, %mul3A_343 : vector<16xf32>
      %get3A_345 = arith.constant 30 : i32
      %get3A_346 = arith.index_cast %get3A_345 : i32 to index
      %get3A_347 = arith.index_cast %mul3A_49 : i32 to index
      %get3A_348 = tpu.vector_load %arg7[%get3A_346, %get3A_347] {strides = array<i32>} : memref<32x128xf32, #tpu.memory_space<vmem>>, vector<16xf32>,
      %get3A_349 = arith.constant 30 : i32
      %get3A_350 = arith.index_cast %get3A_349 : i32 to index
      %get3A_351 = arith.index_cast %mul3A_49 : i32 to index
      %get3A_352 = tpu.vector_load %arg9[%get3A_350, %get3A_351] {strides = array<i32>} : memref<32x128xf32, #tpu.memory_space<vmem>>, vector<16xf32>,
      %mul3A_353 = arith.mulf %get3A_348, %get3A_352 : vector<16xf32>
      %add3A_354 = arith.addf %add3A_314, %mul3A_353 : vector<16xf32>
      %get3A_355 = arith.constant 31 : i32
      %get3A_356 = arith.index_cast %get3A_355 : i32 to index
      %get3A_357 = arith.index_cast %mul3A_49 : i32 to index
      %get3A_358 = tpu.vector_load %arg7[%get3A_356, %get3A_357] {strides = array<i32>} : memref<32x128xf32, #tpu.memory_space<vmem>>, vector<16xf32>,
      %get3A_359 = arith.constant 31 : i32
      %get3A_360 = arith.index_cast %get3A_359 : i32 to index
      %get3A_361 = arith.index_cast %mul3A_49 : i32 to index
      %get3A_362 = tpu.vector_load %arg9[%get3A_360, %get3A_361] {strides = array<i32>} : memref<32x128xf32, #tpu.memory_space<vmem>>, vector<16xf32>,
      %mul3A_363 = arith.mulf %get3A_358, %get3A_362 : vector<16xf32>
      %add3A_364 = arith.addf %add3A_324, %mul3A_363 : vector<16xf32>
      %add3A_365 = arith.addf %add3A_334, %add3A_344 : vector<16xf32>
      %add3A_366 = arith.addf %add3A_354, %add3A_364 : vector<16xf32>
      %add3A_367 = arith.addf %add3A_365, %add3A_366 : vector<16xf32>
      %get3A_368 = arith.index_cast %mul3A_49 : i32 to index
      %get3A_369 = tpu.vector_load %arg11[%get3A_368] {strides = array<i32>} : memref<128xf32, #tpu.memory_space<vmem>>, vector<16xf32>,
      %get3A_370 = arith.index_cast %mul3A_49 : i32 to index
      %get3A_371 = tpu.vector_load %arg12[%get3A_370] {strides = array<i32>} : memref<128xf32, #tpu.memory_space<vmem>>, vector<16xf32>,
      %add3A_372 = arith.addf %get3A_369, %get3A_371 : vector<16xf32>
      %add3A_373 = arith.addf %add3A_367, %add3A_372 : vector<16xf32>
      %swap3A = arith.index_cast %mul3A_49 : i32 to index
      %swap3A_374 = tpu.vector_load %arg13[%swap3A] {strides = array<i32>} : memref<128xf32, #tpu.memory_space<vmem>>, vector<16xf32>,
      tpu.vector_store %arg13[%swap3A], %add3A_373 {strides = array<i32>} : memref<128xf32, #tpu.memory_space<vmem>>, vector<16xf32>,
      %scan3A_375 = arith.constant 0 : i32
      scf.yield %scan3A_375 : i32
    }
    %scan3A_30 = arith.constant 8 : i32
    %dma_wait3A_31 = arith.constant 32 : i32
    %dma_wait3A_32 = tpu.memref_slice %arg2[%dma_wait3A_31, %mul3A_2] : memref<64x16384xf32, #tpu.memory_space<hbm>> -> memref<32x128xf32, #tpu.memory_space<hbm>>
    %dma_wait3A_33 = arith.constant 32 : i32
    %dma_wait3A_34 = tpu.memref_slice %arg2[%dma_wait3A_33, %mul3A_2] : memref<64x16384xf32, #tpu.memory_space<hbm>> -> memref<32x128xf32, #tpu.memory_space<hbm>>
    tpu.wait_dma2 semaphore(%arg15 : memref<!tpu.dma_semaphore, #tpu.memory_space<semaphore_mem>>) src(%dma_wait3A_34 : memref<32x128xf32, #tpu.memory_space<hbm>>) dst(%arg8 : memref<32x128xf32, #tpu.memory_space<vmem>>)
    %dma_wait3A_35 = arith.constant 32 : i32
    %dma_wait3A_36 = tpu.memref_slice %arg4[%dma_wait3A_35, %mul3A_2] : memref<64x16384xf32, #tpu.memory_space<hbm>> -> memref<32x128xf32, #tpu.memory_space<hbm>>
    %dma_wait3A_37 = arith.constant 32 : i32
    %dma_wait3A_38 = tpu.memref_slice %arg4[%dma_wait3A_37, %mul3A_2] : memref<64x16384xf32, #tpu.memory_space<hbm>> -> memref<32x128xf32, #tpu.memory_space<hbm>>
    tpu.wait_dma2 semaphore(%arg17 : memref<!tpu.dma_semaphore, #tpu.memory_space<semaphore_mem>>) src(%dma_wait3A_38 : memref<32x128xf32, #tpu.memory_space<hbm>>) dst(%arg10 : memref<32x128xf32, #tpu.memory_space<vmem>>)
    %scan3A_39 = arith.constant 0 : i32
    %scan3A_40 = arith.constant 0 : i32
    %scan3A_41 = arith.constant 8 : i32
    %scan3A_42 = arith.addi %scan3A_40, %scan3A_41 : i32
    %scan3A_43 = arith.constant 1 : i32
    %scan3A_44 = scf.for %scan3A_46 = %scan3A_40 to %scan3A_42 step %scan3A_43 iter_args(%scan3A_47 = %scan3A_39) -> (i32)  : i32 {
      %mul3A_48 = arith.constant 16 : i32
      %mul3A_49 = arith.muli %scan3A_46, %mul3A_48 : i32
      %get3A = arith.constant 0 : i32
      %get3A_50 = arith.index_cast %get3A : i32 to index
      %get3A_51 = arith.index_cast %mul3A_49 : i32 to index
      %get3A_52 = tpu.vector_load %arg8[%get3A_50, %get3A_51] {strides = array<i32>} : memref<32x128xf32, #tpu.memory_space<vmem>>, vector<16xf32>,
      %get3A_53 = arith.constant 0 : i32
      %get3A_54 = arith.index_cast %get3A_53 : i32 to index
      %get3A_55 = arith.index_cast %mul3A_49 : i32 to index
      %get3A_56 = tpu.vector_load %arg10[%get3A_54, %get3A_55] {strides = array<i32>} : memref<32x128xf32, #tpu.memory_space<vmem>>, vector<16xf32>,
      %mul3A_57 = arith.mulf %get3A_52, %get3A_56 : vector<16xf32>
      %get3A_58 = arith.constant 1 : i32
      %get3A_59 = arith.index_cast %get3A_58 : i32 to index
      %get3A_60 = arith.index_cast %mul3A_49 : i32 to index
      %get3A_61 = tpu.vector_load %arg8[%get3A_59, %get3A_60] {strides = array<i32>} : memref<32x128xf32, #tpu.memory_space<vmem>>, vector<16xf32>,
      %get3A_62 = arith.constant 1 : i32
      %get3A_63 = arith.index_cast %get3A_62 : i32 to index
      %get3A_64 = arith.index_cast %mul3A_49 : i32 to index
      %get3A_65 = tpu.vector_load %arg10[%get3A_63, %get3A_64] {strides = array<i32>} : memref<32x128xf32, #tpu.memory_space<vmem>>, vector<16xf32>,
      %mul3A_66 = arith.mulf %get3A_61, %get3A_65 : vector<16xf32>
      %get3A_67 = arith.constant 2 : i32
      %get3A_68 = arith.index_cast %get3A_67 : i32 to index
      %get3A_69 = arith.index_cast %mul3A_49 : i32 to index
      %get3A_70 = tpu.vector_load %arg8[%get3A_68, %get3A_69] {strides = array<i32>} : memref<32x128xf32, #tpu.memory_space<vmem>>, vector<16xf32>,
      %get3A_71 = arith.constant 2 : i32
      %get3A_72 = arith.index_cast %get3A_71 : i32 to index
      %get3A_73 = arith.index_cast %mul3A_49 : i32 to index
      %get3A_74 = tpu.vector_load %arg10[%get3A_72, %get3A_73] {strides = array<i32>} : memref<32x128xf32, #tpu.memory_space<vmem>>, vector<16xf32>,
      %mul3A_75 = arith.mulf %get3A_70, %get3A_74 : vector<16xf32>
      %get3A_76 = arith.constant 3 : i32
      %get3A_77 = arith.index_cast %get3A_76 : i32 to index
      %get3A_78 = arith.index_cast %mul3A_49 : i32 to index
      %get3A_79 = tpu.vector_load %arg8[%get3A_77, %get3A_78] {strides = array<i32>} : memref<32x128xf32, #tpu.memory_space<vmem>>, vector<16xf32>,
      %get3A_80 = arith.constant 3 : i32
      %get3A_81 = arith.index_cast %get3A_80 : i32 to index
      %get3A_82 = arith.index_cast %mul3A_49 : i32 to index
      %get3A_83 = tpu.vector_load %arg10[%get3A_81, %get3A_82] {strides = array<i32>} : memref<32x128xf32, #tpu.memory_space<vmem>>, vector<16xf32>,
      %mul3A_84 = arith.mulf %get3A_79, %get3A_83 : vector<16xf32>
      %get3A_85 = arith.constant 4 : i32
      %get3A_86 = arith.index_cast %get3A_85 : i32 to index
      %get3A_87 = arith.index_cast %mul3A_49 : i32 to index
      %get3A_88 = tpu.vector_load %arg8[%get3A_86, %get3A_87] {strides = array<i32>} : memref<32x128xf32, #tpu.memory_space<vmem>>, vector<16xf32>,
      %get3A_89 = arith.constant 4 : i32
      %get3A_90 = arith.index_cast %get3A_89 : i32 to index
      %get3A_91 = arith.index_cast %mul3A_49 : i32 to index
      %get3A_92 = tpu.vector_load %arg10[%get3A_90, %get3A_91] {strides = array<i32>} : memref<32x128xf32, #tpu.memory_space<vmem>>, vector<16xf32>,
      %mul3A_93 = arith.mulf %get3A_88, %get3A_92 : vector<16xf32>
      %add3A_94 = arith.addf %mul3A_57, %mul3A_93 : vector<16xf32>
      %get3A_95 = arith.constant 5 : i32
      %get3A_96 = arith.index_cast %get3A_95 : i32 to index
      %get3A_97 = arith.index_cast %mul3A_49 : i32 to index
      %get3A_98 = tpu.vector_load %arg8[%get3A_96, %get3A_97] {strides = array<i32>} : memref<32x128xf32, #tpu.memory_space<vmem>>, vector<16xf32>,
      %get3A_99 = arith.constant 5 : i32
      %get3A_100 = arith.index_cast %get3A_99 : i32 to index
      %get3A_101 = arith.index_cast %mul3A_49 : i32 to index
      %get3A_102 = tpu.vector_load %arg10[%get3A_100, %get3A_101] {strides = array<i32>} : memref<32x128xf32, #tpu.memory_space<vmem>>, vector<16xf32>,
      %mul3A_103 = arith.mulf %get3A_98, %get3A_102 : vector<16xf32>
      %add3A_104 = arith.addf %mul3A_66, %mul3A_103 : vector<16xf32>
      %get3A_105 = arith.constant 6 : i32
      %get3A_106 = arith.index_cast %get3A_105 : i32 to index
      %get3A_107 = arith.index_cast %mul3A_49 : i32 to index
      %get3A_108 = tpu.vector_load %arg8[%get3A_106, %get3A_107] {strides = array<i32>} : memref<32x128xf32, #tpu.memory_space<vmem>>, vector<16xf32>,
      %get3A_109 = arith.constant 6 : i32
      %get3A_110 = arith.index_cast %get3A_109 : i32 to index
      %get3A_111 = arith.index_cast %mul3A_49 : i32 to index
      %get3A_112 = tpu.vector_load %arg10[%get3A_110, %get3A_111] {strides = array<i32>} : memref<32x128xf32, #tpu.memory_space<vmem>>, vector<16xf32>,
      %mul3A_113 = arith.mulf %get3A_108, %get3A_112 : vector<16xf32>
      %add3A_114 = arith.addf %mul3A_75, %mul3A_113 : vector<16xf32>
      %get3A_115 = arith.constant 7 : i32
      %get3A_116 = arith.index_cast %get3A_115 : i32 to index
      %get3A_117 = arith.index_cast %mul3A_49 : i32 to index
      %get3A_118 = tpu.vector_load %arg8[%get3A_116, %get3A_117] {strides = array<i32>} : memref<32x128xf32, #tpu.memory_space<vmem>>, vector<16xf32>,
      %get3A_119 = arith.constant 7 : i32
      %get3A_120 = arith.index_cast %get3A_119 : i32 to index
      %get3A_121 = arith.index_cast %mul3A_49 : i32 to index
      %get3A_122 = tpu.vector_load %arg10[%get3A_120, %get3A_121] {strides = array<i32>} : memref<32x128xf32, #tpu.memory_space<vmem>>, vector<16xf32>,
      %mul3A_123 = arith.mulf %get3A_118, %get3A_122 : vector<16xf32>
      %add3A_124 = arith.addf %mul3A_84, %mul3A_123 : vector<16xf32>
      %get3A_125 = arith.constant 8 : i32
      %get3A_126 = arith.index_cast %get3A_125 : i32 to index
      %get3A_127 = arith.index_cast %mul3A_49 : i32 to index
      %get3A_128 = tpu.vector_load %arg8[%get3A_126, %get3A_127] {strides = array<i32>} : memref<32x128xf32, #tpu.memory_space<vmem>>, vector<16xf32>,
      %get3A_129 = arith.constant 8 : i32
      %get3A_130 = arith.index_cast %get3A_129 : i32 to index
      %get3A_131 = arith.index_cast %mul3A_49 : i32 to index
      %get3A_132 = tpu.vector_load %arg10[%get3A_130, %get3A_131] {strides = array<i32>} : memref<32x128xf32, #tpu.memory_space<vmem>>, vector<16xf32>,
      %mul3A_133 = arith.mulf %get3A_128, %get3A_132 : vector<16xf32>
      %add3A_134 = arith.addf %add3A_94, %mul3A_133 : vector<16xf32>
      %get3A_135 = arith.constant 9 : i32
      %get3A_136 = arith.index_cast %get3A_135 : i32 to index
      %get3A_137 = arith.index_cast %mul3A_49 : i32 to index
      %get3A_138 = tpu.vector_load %arg8[%get3A_136, %get3A_137] {strides = array<i32>} : memref<32x128xf32, #tpu.memory_space<vmem>>, vector<16xf32>,
      %get3A_139 = arith.constant 9 : i32
      %get3A_140 = arith.index_cast %get3A_139 : i32 to index
      %get3A_141 = arith.index_cast %mul3A_49 : i32 to index
      %get3A_142 = tpu.vector_load %arg10[%get3A_140, %get3A_141] {strides = array<i32>} : memref<32x128xf32, #tpu.memory_space<vmem>>, vector<16xf32>,
      %mul3A_143 = arith.mulf %get3A_138, %get3A_142 : vector<16xf32>
      %add3A_144 = arith.addf %add3A_104, %mul3A_143 : vector<16xf32>
      %get3A_145 = arith.constant 10 : i32
      %get3A_146 = arith.index_cast %get3A_145 : i32 to index
      %get3A_147 = arith.index_cast %mul3A_49 : i32 to index
      %get3A_148 = tpu.vector_load %arg8[%get3A_146, %get3A_147] {strides = array<i32>} : memref<32x128xf32, #tpu.memory_space<vmem>>, vector<16xf32>,
      %get3A_149 = arith.constant 10 : i32
      %get3A_150 = arith.index_cast %get3A_149 : i32 to index
      %get3A_151 = arith.index_cast %mul3A_49 : i32 to index
      %get3A_152 = tpu.vector_load %arg10[%get3A_150, %get3A_151] {strides = array<i32>} : memref<32x128xf32, #tpu.memory_space<vmem>>, vector<16xf32>,
      %mul3A_153 = arith.mulf %get3A_148, %get3A_152 : vector<16xf32>
      %add3A_154 = arith.addf %add3A_114, %mul3A_153 : vector<16xf32>
      %get3A_155 = arith.constant 11 : i32
      %get3A_156 = arith.index_cast %get3A_155 : i32 to index
      %get3A_157 = arith.index_cast %mul3A_49 : i32 to index
      %get3A_158 = tpu.vector_load %arg8[%get3A_156, %get3A_157] {strides = array<i32>} : memref<32x128xf32, #tpu.memory_space<vmem>>, vector<16xf32>,
      %get3A_159 = arith.constant 11 : i32
      %get3A_160 = arith.index_cast %get3A_159 : i32 to index
      %get3A_161 = arith.index_cast %mul3A_49 : i32 to index
      %get3A_162 = tpu.vector_load %arg10[%get3A_160, %get3A_161] {strides = array<i32>} : memref<32x128xf32, #tpu.memory_space<vmem>>, vector<16xf32>,
      %mul3A_163 = arith.mulf %get3A_158, %get3A_162 : vector<16xf32>
      %add3A_164 = arith.addf %add3A_124, %mul3A_163 : vector<16xf32>
      %get3A_165 = arith.constant 12 : i32
      %get3A_166 = arith.index_cast %get3A_165 : i32 to index
      %get3A_167 = arith.index_cast %mul3A_49 : i32 to index
      %get3A_168 = tpu.vector_load %arg8[%get3A_166, %get3A_167] {strides = array<i32>} : memref<32x128xf32, #tpu.memory_space<vmem>>, vector<16xf32>,
      %get3A_169 = arith.constant 12 : i32
      %get3A_170 = arith.index_cast %get3A_169 : i32 to index
      %get3A_171 = arith.index_cast %mul3A_49 : i32 to index
      %get3A_172 = tpu.vector_load %arg10[%get3A_170, %get3A_171] {strides = array<i32>} : memref<32x128xf32, #tpu.memory_space<vmem>>, vector<16xf32>,
      %mul3A_173 = arith.mulf %get3A_168, %get3A_172 : vector<16xf32>
      %add3A_174 = arith.addf %add3A_134, %mul3A_173 : vector<16xf32>
      %get3A_175 = arith.constant 13 : i32
      %get3A_176 = arith.index_cast %get3A_175 : i32 to index
      %get3A_177 = arith.index_cast %mul3A_49 : i32 to index
      %get3A_178 = tpu.vector_load %arg8[%get3A_176, %get3A_177] {strides = array<i32>} : memref<32x128xf32, #tpu.memory_space<vmem>>, vector<16xf32>,
      %get3A_179 = arith.constant 13 : i32
      %get3A_180 = arith.index_cast %get3A_179 : i32 to index
      %get3A_181 = arith.index_cast %mul3A_49 : i32 to index
      %get3A_182 = tpu.vector_load %arg10[%get3A_180, %get3A_181] {strides = array<i32>} : memref<32x128xf32, #tpu.memory_space<vmem>>, vector<16xf32>,
      %mul3A_183 = arith.mulf %get3A_178, %get3A_182 : vector<16xf32>
      %add3A_184 = arith.addf %add3A_144, %mul3A_183 : vector<16xf32>
      %get3A_185 = arith.constant 14 : i32
      %get3A_186 = arith.index_cast %get3A_185 : i32 to index
      %get3A_187 = arith.index_cast %mul3A_49 : i32 to index
      %get3A_188 = tpu.vector_load %arg8[%get3A_186, %get3A_187] {strides = array<i32>} : memref<32x128xf32, #tpu.memory_space<vmem>>, vector<16xf32>,
      %get3A_189 = arith.constant 14 : i32
      %get3A_190 = arith.index_cast %get3A_189 : i32 to index
      %get3A_191 = arith.index_cast %mul3A_49 : i32 to index
      %get3A_192 = tpu.vector_load %arg10[%get3A_190, %get3A_191] {strides = array<i32>} : memref<32x128xf32, #tpu.memory_space<vmem>>, vector<16xf32>,
      %mul3A_193 = arith.mulf %get3A_188, %get3A_192 : vector<16xf32>
      %add3A_194 = arith.addf %add3A_154, %mul3A_193 : vector<16xf32>
      %get3A_195 = arith.constant 15 : i32
      %get3A_196 = arith.index_cast %get3A_195 : i32 to index
      %get3A_197 = arith.index_cast %mul3A_49 : i32 to index
      %get3A_198 = tpu.vector_load %arg8[%get3A_196, %get3A_197] {strides = array<i32>} : memref<32x128xf32, #tpu.memory_space<vmem>>, vector<16xf32>,
      %get3A_199 = arith.constant 15 : i32
      %get3A_200 = arith.index_cast %get3A_199 : i32 to index
      %get3A_201 = arith.index_cast %mul3A_49 : i32 to index
      %get3A_202 = tpu.vector_load %arg10[%get3A_200, %get3A_201] {strides = array<i32>} : memref<32x128xf32, #tpu.memory_space<vmem>>, vector<16xf32>,
      %mul3A_203 = arith.mulf %get3A_198, %get3A_202 : vector<16xf32>
      %add3A_204 = arith.addf %add3A_164, %mul3A_203 : vector<16xf32>
      %get3A_205 = arith.constant 16 : i32
      %get3A_206 = arith.index_cast %get3A_205 : i32 to index
      %get3A_207 = arith.index_cast %mul3A_49 : i32 to index
      %get3A_208 = tpu.vector_load %arg8[%get3A_206, %get3A_207] {strides = array<i32>} : memref<32x128xf32, #tpu.memory_space<vmem>>, vector<16xf32>,
      %get3A_209 = arith.constant 16 : i32
      %get3A_210 = arith.index_cast %get3A_209 : i32 to index
      %get3A_211 = arith.index_cast %mul3A_49 : i32 to index
      %get3A_212 = tpu.vector_load %arg10[%get3A_210, %get3A_211] {strides = array<i32>} : memref<32x128xf32, #tpu.memory_space<vmem>>, vector<16xf32>,
      %mul3A_213 = arith.mulf %get3A_208, %get3A_212 : vector<16xf32>
      %add3A_214 = arith.addf %add3A_174, %mul3A_213 : vector<16xf32>
      %get3A_215 = arith.constant 17 : i32
      %get3A_216 = arith.index_cast %get3A_215 : i32 to index
      %get3A_217 = arith.index_cast %mul3A_49 : i32 to index
      %get3A_218 = tpu.vector_load %arg8[%get3A_216, %get3A_217] {strides = array<i32>} : memref<32x128xf32, #tpu.memory_space<vmem>>, vector<16xf32>,
      %get3A_219 = arith.constant 17 : i32
      %get3A_220 = arith.index_cast %get3A_219 : i32 to index
      %get3A_221 = arith.index_cast %mul3A_49 : i32 to index
      %get3A_222 = tpu.vector_load %arg10[%get3A_220, %get3A_221] {strides = array<i32>} : memref<32x128xf32, #tpu.memory_space<vmem>>, vector<16xf32>,
      %mul3A_223 = arith.mulf %get3A_218, %get3A_222 : vector<16xf32>
      %add3A_224 = arith.addf %add3A_184, %mul3A_223 : vector<16xf32>
      %get3A_225 = arith.constant 18 : i32
      %get3A_226 = arith.index_cast %get3A_225 : i32 to index
      %get3A_227 = arith.index_cast %mul3A_49 : i32 to index
      %get3A_228 = tpu.vector_load %arg8[%get3A_226, %get3A_227] {strides = array<i32>} : memref<32x128xf32, #tpu.memory_space<vmem>>, vector<16xf32>,
      %get3A_229 = arith.constant 18 : i32
      %get3A_230 = arith.index_cast %get3A_229 : i32 to index
      %get3A_231 = arith.index_cast %mul3A_49 : i32 to index
      %get3A_232 = tpu.vector_load %arg10[%get3A_230, %get3A_231] {strides = array<i32>} : memref<32x128xf32, #tpu.memory_space<vmem>>, vector<16xf32>,
      %mul3A_233 = arith.mulf %get3A_228, %get3A_232 : vector<16xf32>
      %add3A_234 = arith.addf %add3A_194, %mul3A_233 : vector<16xf32>
      %get3A_235 = arith.constant 19 : i32
      %get3A_236 = arith.index_cast %get3A_235 : i32 to index
      %get3A_237 = arith.index_cast %mul3A_49 : i32 to index
      %get3A_238 = tpu.vector_load %arg8[%get3A_236, %get3A_237] {strides = array<i32>} : memref<32x128xf32, #tpu.memory_space<vmem>>, vector<16xf32>,
      %get3A_239 = arith.constant 19 : i32
      %get3A_240 = arith.index_cast %get3A_239 : i32 to index
      %get3A_241 = arith.index_cast %mul3A_49 : i32 to index
      %get3A_242 = tpu.vector_load %arg10[%get3A_240, %get3A_241] {strides = array<i32>} : memref<32x128xf32, #tpu.memory_space<vmem>>, vector<16xf32>,
      %mul3A_243 = arith.mulf %get3A_238, %get3A_242 : vector<16xf32>
      %add3A_244 = arith.addf %add3A_204, %mul3A_243 : vector<16xf32>
      %get3A_245 = arith.constant 20 : i32
      %get3A_246 = arith.index_cast %get3A_245 : i32 to index
      %get3A_247 = arith.index_cast %mul3A_49 : i32 to index
      %get3A_248 = tpu.vector_load %arg8[%get3A_246, %get3A_247] {strides = array<i32>} : memref<32x128xf32, #tpu.memory_space<vmem>>, vector<16xf32>,
      %get3A_249 = arith.constant 20 : i32
      %get3A_250 = arith.index_cast %get3A_249 : i32 to index
      %get3A_251 = arith.index_cast %mul3A_49 : i32 to index
      %get3A_252 = tpu.vector_load %arg10[%get3A_250, %get3A_251] {strides = array<i32>} : memref<32x128xf32, #tpu.memory_space<vmem>>, vector<16xf32>,
      %mul3A_253 = arith.mulf %get3A_248, %get3A_252 : vector<16xf32>
      %add3A_254 = arith.addf %add3A_214, %mul3A_253 : vector<16xf32>
      %get3A_255 = arith.constant 21 : i32
      %get3A_256 = arith.index_cast %get3A_255 : i32 to index
      %get3A_257 = arith.index_cast %mul3A_49 : i32 to index
      %get3A_258 = tpu.vector_load %arg8[%get3A_256, %get3A_257] {strides = array<i32>} : memref<32x128xf32, #tpu.memory_space<vmem>>, vector<16xf32>,
      %get3A_259 = arith.constant 21 : i32
      %get3A_260 = arith.index_cast %get3A_259 : i32 to index
      %get3A_261 = arith.index_cast %mul3A_49 : i32 to index
      %get3A_262 = tpu.vector_load %arg10[%get3A_260, %get3A_261] {strides = array<i32>} : memref<32x128xf32, #tpu.memory_space<vmem>>, vector<16xf32>,
      %mul3A_263 = arith.mulf %get3A_258, %get3A_262 : vector<16xf32>
      %add3A_264 = arith.addf %add3A_224, %mul3A_263 : vector<16xf32>
      %get3A_265 = arith.constant 22 : i32
      %get3A_266 = arith.index_cast %get3A_265 : i32 to index
      %get3A_267 = arith.index_cast %mul3A_49 : i32 to index
      %get3A_268 = tpu.vector_load %arg8[%get3A_266, %get3A_267] {strides = array<i32>} : memref<32x128xf32, #tpu.memory_space<vmem>>, vector<16xf32>,
      %get3A_269 = arith.constant 22 : i32
      %get3A_270 = arith.index_cast %get3A_269 : i32 to index
      %get3A_271 = arith.index_cast %mul3A_49 : i32 to index
      %get3A_272 = tpu.vector_load %arg10[%get3A_270, %get3A_271] {strides = array<i32>} : memref<32x128xf32, #tpu.memory_space<vmem>>, vector<16xf32>,
      %mul3A_273 = arith.mulf %get3A_268, %get3A_272 : vector<16xf32>
      %add3A_274 = arith.addf %add3A_234, %mul3A_273 : vector<16xf32>
      %get3A_275 = arith.constant 23 : i32
      %get3A_276 = arith.index_cast %get3A_275 : i32 to index
      %get3A_277 = arith.index_cast %mul3A_49 : i32 to index
      %get3A_278 = tpu.vector_load %arg8[%get3A_276, %get3A_277] {strides = array<i32>} : memref<32x128xf32, #tpu.memory_space<vmem>>, vector<16xf32>,
      %get3A_279 = arith.constant 23 : i32
      %get3A_280 = arith.index_cast %get3A_279 : i32 to index
      %get3A_281 = arith.index_cast %mul3A_49 : i32 to index
      %get3A_282 = tpu.vector_load %arg10[%get3A_280, %get3A_281] {strides = array<i32>} : memref<32x128xf32, #tpu.memory_space<vmem>>, vector<16xf32>,
      %mul3A_283 = arith.mulf %get3A_278, %get3A_282 : vector<16xf32>
      %add3A_284 = arith.addf %add3A_244, %mul3A_283 : vector<16xf32>
      %get3A_285 = arith.constant 24 : i32
      %get3A_286 = arith.index_cast %get3A_285 : i32 to index
      %get3A_287 = arith.index_cast %mul3A_49 : i32 to index
      %get3A_288 = tpu.vector_load %arg8[%get3A_286, %get3A_287] {strides = array<i32>} : memref<32x128xf32, #tpu.memory_space<vmem>>, vector<16xf32>,
      %get3A_289 = arith.constant 24 : i32
      %get3A_290 = arith.index_cast %get3A_289 : i32 to index
      %get3A_291 = arith.index_cast %mul3A_49 : i32 to index
      %get3A_292 = tpu.vector_load %arg10[%get3A_290, %get3A_291] {strides = array<i32>} : memref<32x128xf32, #tpu.memory_space<vmem>>, vector<16xf32>,
      %mul3A_293 = arith.mulf %get3A_288, %get3A_292 : vector<16xf32>
      %add3A_294 = arith.addf %add3A_254, %mul3A_293 : vector<16xf32>
      %get3A_295 = arith.constant 25 : i32
      %get3A_296 = arith.index_cast %get3A_295 : i32 to index
      %get3A_297 = arith.index_cast %mul3A_49 : i32 to index
      %get3A_298 = tpu.vector_load %arg8[%get3A_296, %get3A_297] {strides = array<i32>} : memref<32x128xf32, #tpu.memory_space<vmem>>, vector<16xf32>,
      %get3A_299 = arith.constant 25 : i32
      %get3A_300 = arith.index_cast %get3A_299 : i32 to index
      %get3A_301 = arith.index_cast %mul3A_49 : i32 to index
      %get3A_302 = tpu.vector_load %arg10[%get3A_300, %get3A_301] {strides = array<i32>} : memref<32x128xf32, #tpu.memory_space<vmem>>, vector<16xf32>,
      %mul3A_303 = arith.mulf %get3A_298, %get3A_302 : vector<16xf32>
      %add3A_304 = arith.addf %add3A_264, %mul3A_303 : vector<16xf32>
      %get3A_305 = arith.constant 26 : i32
      %get3A_306 = arith.index_cast %get3A_305 : i32 to index
      %get3A_307 = arith.index_cast %mul3A_49 : i32 to index
      %get3A_308 = tpu.vector_load %arg8[%get3A_306, %get3A_307] {strides = array<i32>} : memref<32x128xf32, #tpu.memory_space<vmem>>, vector<16xf32>,
      %get3A_309 = arith.constant 26 : i32
      %get3A_310 = arith.index_cast %get3A_309 : i32 to index
      %get3A_311 = arith.index_cast %mul3A_49 : i32 to index
      %get3A_312 = tpu.vector_load %arg10[%get3A_310, %get3A_311] {strides = array<i32>} : memref<32x128xf32, #tpu.memory_space<vmem>>, vector<16xf32>,
      %mul3A_313 = arith.mulf %get3A_308, %get3A_312 : vector<16xf32>
      %add3A_314 = arith.addf %add3A_274, %mul3A_313 : vector<16xf32>
      %get3A_315 = arith.constant 27 : i32
      %get3A_316 = arith.index_cast %get3A_315 : i32 to index
      %get3A_317 = arith.index_cast %mul3A_49 : i32 to index
      %get3A_318 = tpu.vector_load %arg8[%get3A_316, %get3A_317] {strides = array<i32>} : memref<32x128xf32, #tpu.memory_space<vmem>>, vector<16xf32>,
      %get3A_319 = arith.constant 27 : i32
      %get3A_320 = arith.index_cast %get3A_319 : i32 to index
      %get3A_321 = arith.index_cast %mul3A_49 : i32 to index
      %get3A_322 = tpu.vector_load %arg10[%get3A_320, %get3A_321] {strides = array<i32>} : memref<32x128xf32, #tpu.memory_space<vmem>>, vector<16xf32>,
      %mul3A_323 = arith.mulf %get3A_318, %get3A_322 : vector<16xf32>
      %add3A_324 = arith.addf %add3A_284, %mul3A_323 : vector<16xf32>
      %get3A_325 = arith.constant 28 : i32
      %get3A_326 = arith.index_cast %get3A_325 : i32 to index
      %get3A_327 = arith.index_cast %mul3A_49 : i32 to index
      %get3A_328 = tpu.vector_load %arg8[%get3A_326, %get3A_327] {strides = array<i32>} : memref<32x128xf32, #tpu.memory_space<vmem>>, vector<16xf32>,
      %get3A_329 = arith.constant 28 : i32
      %get3A_330 = arith.index_cast %get3A_329 : i32 to index
      %get3A_331 = arith.index_cast %mul3A_49 : i32 to index
      %get3A_332 = tpu.vector_load %arg10[%get3A_330, %get3A_331] {strides = array<i32>} : memref<32x128xf32, #tpu.memory_space<vmem>>, vector<16xf32>,
      %mul3A_333 = arith.mulf %get3A_328, %get3A_332 : vector<16xf32>
      %add3A_334 = arith.addf %add3A_294, %mul3A_333 : vector<16xf32>
      %get3A_335 = arith.constant 29 : i32
      %get3A_336 = arith.index_cast %get3A_335 : i32 to index
      %get3A_337 = arith.index_cast %mul3A_49 : i32 to index
      %get3A_338 = tpu.vector_load %arg8[%get3A_336, %get3A_337] {strides = array<i32>} : memref<32x128xf32, #tpu.memory_space<vmem>>, vector<16xf32>,
      %get3A_339 = arith.constant 29 : i32
      %get3A_340 = arith.index_cast %get3A_339 : i32 to index
      %get3A_341 = arith.index_cast %mul3A_49 : i32 to index
      %get3A_342 = tpu.vector_load %arg10[%get3A_340, %get3A_341] {strides = array<i32>} : memref<32x128xf32, #tpu.memory_space<vmem>>, vector<16xf32>,
      %mul3A_343 = arith.mulf %get3A_338, %get3A_342 : vector<16xf32>
      %add3A_344 = arith.addf %add3A_304, %mul3A_343 : vector<16xf32>
      %get3A_345 = arith.constant 30 : i32
      %get3A_346 = arith.index_cast %get3A_345 : i32 to index
      %get3A_347 = arith.index_cast %mul3A_49 : i32 to index
      %get3A_348 = tpu.vector_load %arg8[%get3A_346, %get3A_347] {strides = array<i32>} : memref<32x128xf32, #tpu.memory_space<vmem>>, vector<16xf32>,
      %get3A_349 = arith.constant 30 : i32
      %get3A_350 = arith.index_cast %get3A_349 : i32 to index
      %get3A_351 = arith.index_cast %mul3A_49 : i32 to index
      %get3A_352 = tpu.vector_load %arg10[%get3A_350, %get3A_351] {strides = array<i32>} : memref<32x128xf32, #tpu.memory_space<vmem>>, vector<16xf32>,
      %mul3A_353 = arith.mulf %get3A_348, %get3A_352 : vector<16xf32>
      %add3A_354 = arith.addf %add3A_314, %mul3A_353 : vector<16xf32>
      %get3A_355 = arith.constant 31 : i32
      %get3A_356 = arith.index_cast %get3A_355 : i32 to index
      %get3A_357 = arith.index_cast %mul3A_49 : i32 to index
      %get3A_358 = tpu.vector_load %arg8[%get3A_356, %get3A_357] {strides = array<i32>} : memref<32x128xf32, #tpu.memory_space<vmem>>, vector<16xf32>,
      %get3A_359 = arith.constant 31 : i32
      %get3A_360 = arith.index_cast %get3A_359 : i32 to index
      %get3A_361 = arith.index_cast %mul3A_49 : i32 to index
      %get3A_362 = tpu.vector_load %arg10[%get3A_360, %get3A_361] {strides = array<i32>} : memref<32x128xf32, #tpu.memory_space<vmem>>, vector<16xf32>,
      %mul3A_363 = arith.mulf %get3A_358, %get3A_362 : vector<16xf32>
      %add3A_364 = arith.addf %add3A_324, %mul3A_363 : vector<16xf32>
      %add3A_365 = arith.addf %add3A_334, %add3A_344 : vector<16xf32>
      %add3A_366 = arith.addf %add3A_354, %add3A_364 : vector<16xf32>
      %add3A_367 = arith.addf %add3A_365, %add3A_366 : vector<16xf32>
      %get3A_368 = arith.index_cast %mul3A_49 : i32 to index
      %get3A_369 = tpu.vector_load %arg13[%get3A_368] {strides = array<i32>} : memref<128xf32, #tpu.memory_space<vmem>>, vector<16xf32>,
      %add3A_370 = arith.addf %get3A_369, %add3A_367 : vector<16xf32>
      %swap3A = arith.index_cast %mul3A_49 : i32 to index
      %swap3A_371 = tpu.vector_load %arg13[%swap3A] {strides = array<i32>} : memref<128xf32, #tpu.memory_space<vmem>>, vector<16xf32>,
      tpu.vector_store %arg13[%swap3A], %add3A_370 {strides = array<i32>} : memref<128xf32, #tpu.memory_space<vmem>>, vector<16xf32>,
      %scan3A_372 = arith.constant 0 : i32
      scf.yield %scan3A_372 : i32
    }
    %scan3A_45 = arith.constant 8 : i32
    "tpu.region"() ({
      %run_scoped3A = tpu.sem_alloc : memref<!tpu.dma_semaphore, #tpu.memory_space<semaphore_mem>>
      %dma_start3A_46 = tpu.memref_slice %arg6[%mul3A_2] : memref<4096xf32, #tpu.memory_space<hbm>> -> memref<128xf32, #tpu.memory_space<hbm>>
      %dma_start3A_47 = tpu.memref_slice %arg6[%mul3A_2] : memref<4096xf32, #tpu.memory_space<hbm>> -> memref<128xf32, #tpu.memory_space<hbm>>
      tpu.enqueue_dma source(%arg13 : memref<128xf32, #tpu.memory_space<vmem>>) target(%dma_start3A_47 : memref<128xf32, #tpu.memory_space<hbm>>) target_semaphore(%run_scoped3A : memref<!tpu.dma_semaphore, #tpu.memory_space<semaphore_mem>>)
      %dma_wait3A_48 = tpu.memref_slice %arg6[%mul3A_2] : memref<4096xf32, #tpu.memory_space<hbm>> -> memref<128xf32, #tpu.memory_space<hbm>>
      %dma_wait3A_49 = tpu.memref_slice %arg6[%mul3A_2] : memref<4096xf32, #tpu.memory_space<hbm>> -> memref<128xf32, #tpu.memory_space<hbm>>
      tpu.wait_dma2 semaphore(%run_scoped3A : memref<!tpu.dma_semaphore, #tpu.memory_space<semaphore_mem>>) src(%arg13 : memref<128xf32, #tpu.memory_space<vmem>>) dst(%dma_wait3A_49 : memref<128xf32, #tpu.memory_space<hbm>>)
      tpu.yield
    }) : () -> ()
    return
  }
}

module attributes {stable_mosaic.version = 14 : i64} {
  func.func @_tc_body(%arg0: i32, %arg1: memref<64x2048xf32, #tpu.memory_space<vmem>>, %arg2: memref<64x2048xf32, #tpu.memory_space<vmem>>, %arg3: memref<2048xf32, #tpu.memory_space<vmem>>, %arg4: memref<2048xf32, #tpu.memory_space<vmem>>, %arg5: memref<2048xf32, #tpu.memory_space<vmem>>) attributes {dimension_semantics = [#tpu.dimension_semantics<arbitrary>], iteration_bounds = array<i64: 6>, scalar_prefetch = 0 : i64, scratch_operands = 0 : i64, tpu.core_type = #tpu.core_type<tc>, window_params = [{transform_indices = @transform_0, window_bounds = array<i64: 64, 2048>}, {transform_indices = @transform_1, window_bounds = array<i64: 64, 2048>}, {transform_indices = @transform_2, window_bounds = array<i64: 2048>}, {transform_indices = @transform_3, window_bounds = array<i64: 2048>}, {transform_indices = @transform_4, window_bounds = array<i64: 2048>}]} {
    %get3A = arith.constant 0 : index
    %get3A_0 = arith.constant 0 : index
    %get3A_1 = vector.load %arg1[%get3A, %get3A_0] : memref<64x2048xf32, #tpu.memory_space<vmem>>, vector<64x2048xf32>
    %get3A_2 = arith.constant 0 : index
    %get3A_3 = arith.constant 0 : index
    %get3A_4 = vector.load %arg2[%get3A_2, %get3A_3] : memref<64x2048xf32, #tpu.memory_space<vmem>>, vector<64x2048xf32>
    %mul3A = arith.mulf %get3A_1, %get3A_4 : vector<64x2048xf32>
    %reduce_sum3A = arith.constant dense<0.000000e+00> : vector<2048xf32>
    %reduce_sum3A_5 = vector.multi_reduction <add>, %mul3A, %reduce_sum3A [0] : vector<64x2048xf32> to vector<2048xf32>
    %get3A_6 = arith.constant 0 : index
    %get3A_7 = vector.load %arg3[%get3A_6] : memref<2048xf32, #tpu.memory_space<vmem>>, vector<2048xf32>
    %add3A = arith.addf %reduce_sum3A_5, %get3A_7 : vector<2048xf32>
    %get3A_8 = arith.constant 0 : index
    %get3A_9 = vector.load %arg4[%get3A_8] : memref<2048xf32, #tpu.memory_space<vmem>>, vector<2048xf32>
    %add3A_10 = arith.addf %add3A, %get3A_9 : vector<2048xf32>
    %swap3A = arith.constant 0 : index
    %swap3A_11 = vector.load %arg5[%swap3A] : memref<2048xf32, #tpu.memory_space<vmem>>, vector<2048xf32>
    tpu.vector_store %arg5[%swap3A], %add3A_10 {strides = array<i32>} : memref<2048xf32, #tpu.memory_space<vmem>>, vector<2048xf32>,
    return
  }
  func.func @transform_0(%arg0: i32) -> (i32, i32) {
    %add3A = arith.constant 2 : i32
    %add3A_0 = arith.addi %add3A, %arg0 : i32
    %c0_i32 = arith.constant 0 : i32
    %c0_i32_1 = arith.constant 0 : i32
    return %c0_i32, %add3A_0 : i32, i32
  }
  func.func @transform_1(%arg0: i32) -> (i32, i32) {
    %add3A = arith.constant 2 : i32
    %add3A_0 = arith.addi %add3A, %arg0 : i32
    %c0_i32 = arith.constant 0 : i32
    %c0_i32_1 = arith.constant 0 : i32
    return %c0_i32, %add3A_0 : i32, i32
  }
  func.func @transform_2(%arg0: i32) -> i32 {
    %add3A = arith.constant 2 : i32
    %add3A_0 = arith.addi %add3A, %arg0 : i32
    %c0_i32 = arith.constant 0 : i32
    return %add3A_0 : i32
  }
  func.func @transform_3(%arg0: i32) -> i32 {
    %add3A = arith.constant 2 : i32
    %add3A_0 = arith.addi %add3A, %arg0 : i32
    %c0_i32 = arith.constant 0 : i32
    return %add3A_0 : i32
  }
  func.func @transform_4(%arg0: i32) -> i32 {
    %c0_i32 = arith.constant 0 : i32
    return %arg0 : i32
  }
}

</mosaic_0001>

<sc_bundles>
// kernel: kernel.4.cloned.1.call-start
scs
__scs_entry_jumppad:
0x0: {  	(pc) =	sbr.rel $0x88, $3  }
0x1: {  	(tag) =	ssettag $0x0;
	lr =	simm.s32 $0x1  }
0x2: {  	[smem:$0x3F9D] =	sst lr;
	_ =	strace $0xD0000000  }
0x3: {  	_ = 	snop  }
0x4: {  	_ = 	snop  }
0x5: {  	_ = 	snop  }
0x6: {  	_ = 	snop  }
0x7: {  	_ = 	snop  }
__scs_overlays_trampoline_lowered:
0x8: {  	[smem:$0x3FAC] =	sst s0  }
0x9: {  	[smem:$0x3FAD] =	sst s1  }
0xa: {  	[smem:$0x3FAE] =	sst s2  }
0xb: {  	[smem:$0x3FAF] =	sst s3  }
0xc: {  	[smem:$0x3FB0] =	sst s4  }
0xd: {  	[smem:$0x3FB1] =	sst s5  }
0xe: {  	[smem:$0x3FB2] =	sst s6  }
0xf: {  	[smem:$0x3FB3] =	sst s7  }
0x10: {  	[smem:$0x3FB4] =	sst s8  }
0x11: {  	[smem:$0x3FB5] =	sst s9;
	s0 =	simm.s32 @!p0 $0x0  }
0x12: {  	s1 =	sld [smem:$0x3F9B];
	s0 =	simm.s32 @p0 $0x1  }
0x13: {  	[smem:$0x3FB6] =	sst s0;
	s0 =	simm.s32 @!p1 $0x0  }
0x14: {  	s2 =	sld [smem:$0x3F9A];
	s0 =	simm.s32 @p1 $0x1  }
0x15: {  	[smem:$0x3FB7] =	sst s0;
	s0 =	simm.s32 @!p2 $0x0  }
0x16: {  	s3 =	sld [smem:$0x3FDB];
	s0 =	simm.s32 @p2 $0x1  }
0x17: {  	s4 =	simm.s32 $0x1BF5;
	[smem:$0x3FB9] =	sst s0  }
0x18: {  	s0 =	sld [smem:$0x3F9C];
	_ =	swait.ge [sflag:s4], $0x0  }
0x19: {  	s7 =	sld [smem:$0x3F9D]  }
0x1a: {  	s8 =	sadd.s32 $0xFFFFE003, lr  }
0x1b: {  	s9 =	sadd.s32 $0xFFFFFEF7, lr;
	s5 =	simm.s32 $0xFFFFFFFF;
	p2 =	slt.u32 s8, $0xFFFFF086  }
0x1c: {  	p1 =	slt.u32 s9, $0xF7A;
	s5 =	simm.s32 @!p2 $0x0  }
0x1d: {  	s5 =	simm.s32 @p1 $0x1;
	p0 =	seq.s32 s7, s2  }
0x1e: {  	s7 =	smul.u32 @!p0 $0xF7A, s2;
	p2 =	seq.s32 @!p0 s5, $0x0  }
0x1f: {  	s9 =	smul.u32 $0xF7A, s1;
	s8 =	simm.s32 @!p0 $0x1BF5;
	p2 =	por !p2, p0  }
0x20: {  	[sflag:s8] =	ssyncset.s32 @!p0 $0xFFFFF086;
	s6 =	sadd.s32 @!p0 s3, s7;
	s7 =	simm.s32 @!p0 $0x108  }
0x21: {  	s3 =	sadd.s32 s3, s9;
	s6 =	sadd.s32 @!p0 $0x88, s6;
	s7 =	simm.s32 @p2 $0x1082  }
0x22: {  	[simem:s7], [sflag:s8] =	dma.local @!p0 [hbm:s6], $0xF7A  }
0x23: {  	s9 =	sor.u32 $0xD0000000, s2;
	s6 =	simm.s32 $0x108;
	_ =	swait.ge @!p0 [sflag:s8], $0x0  }
0x24: {  	s3 =	sadd.s32 $0x88, s3;
	s6 =	simm.s32 @!p1 $0x1082;
	[sflag:s4] =	ssyncset.s32 $0xFFFFF086  }
0x25: {  	[simem:s6], [sflag:s4] =	dma.local [hbm:s3], $0xF7A  }
0x26: {  	[smem:$0x3F9D] =	sst s1;
	(tag) =	ssettag s2;
	_ =	strace s9  }
0x27: {  	s1 =	sld [smem:$0x3FAD]  }
0x28: {  	s2 =	sld [smem:$0x3FAE]  }
0x29: {  	s4 =	sld [smem:$0x3FB0]  }
0x2a: {  	p0 =	seq.s32 s5, $0x0;
	s5 =	sld [smem:$0x3FB1]  }
0x2b: {  	s6 =	sld [smem:$0x3FB2]  }
0x2c: {  	s7 =	sld [smem:$0x3FB3]  }
0x2d: {  	s3 =	simm.s32 $0x108;
	s8 =	sld [smem:$0x3FB4]  }
0x2e: {  	s3 =	simm.s32 @!p0 $0x1082;
	s9 =	sld [smem:$0x3FB5]  }
0x2f: {  	lr =	sadd.s32 s0, s3;
	s0 =	sld [smem:$0x3FAC]  }
0x30: {  	s3 =	sld [smem:$0x3FAF]  }
0x31: {  	[smem:$0x3FB8] =	sst s10  }
0x32: {  	s10 =	sld [smem:$0x3FB6];
	_ =	sdelay $0x3  }
0x33: {  	p0 =	seq.s32 s10, $0x1;
	s10 =	sld [smem:$0x3FB8];
	_ =	sdelay $0x3  }
0x34: {  	[smem:$0x3FB8] =	sst s10  }
0x35: {  	s10 =	sld [smem:$0x3FB7];
	_ =	sdelay $0x3  }
0x36: {  	p1 =	seq.s32 s10, $0x1;
	s10 =	sld [smem:$0x3FB8];
	_ =	sdelay $0x3  }
0x37: {  	[smem:$0x3FB8] =	sst s10  }
0x38: {  	s10 =	sld [smem:$0x3FB9]  }
0x39: {  	_ = 	snop;
	(pc) =	sbr.ind lr, $3  }
0x3a: {  	_ = 	snop  }
0x3b: {  	_ = 	snop  }
0x3c: {  	p2 =	seq.s32 s10, $0x1;
	s10 =	sld [smem:$0x3FB8]  }
0x3d: {  	_ =	shalt  }
0x3e: {  	_ =	shalt  }
0x3f: {  	_ =	shalt  }
0x40: {  	_ =	shalt  }
0x41: {  	_ =	shalt  }
0x42: {  	_ =	shalt  }
0x43: {  	_ =	shalt  }
0x44: {  	_ =	shalt  }
0x45: {  	_ =	shalt  }
0x46: {  	_ =	shalt  }
0x47: {  	_ =	shalt  }
0x48: {  	_ =	shalt  }
0x49: {  	_ =	shalt  }
0x4a: {  	_ =	shalt  }
0x4b: {  	_ =	shalt  }
0x4c: {  	_ =	shalt  }
0x4d: {  	_ =	shalt  }
0x4e: {  	_ =	shalt  }
0x4f: {  	_ =	shalt  }
0x50: {  	_ =	shalt  }
0x51: {  	_ =	shalt  }
0x52: {  	_ =	shalt  }
0x53: {  	_ =	shalt  }
0x54: {  	_ =	shalt  }
0x55: {  	_ =	shalt  }
0x56: {  	_ =	shalt  }
0x57: {  	_ =	shalt  }
0x58: {  	_ =	shalt  }
0x59: {  	_ =	shalt  }
0x5a: {  	_ =	shalt  }
0x5b: {  	_ =	shalt  }
0x5c: {  	_ =	shalt  }
0x5d: {  	_ =	shalt  }
0x5e: {  	_ =	shalt  }
0x5f: {  	_ =	shalt  }
0x60: {  	_ =	shalt  }
0x61: {  	_ =	shalt  }
0x62: {  	_ =	shalt  }
0x63: {  	_ =	shalt  }
0x64: {  	_ =	shalt  }
0x65: {  	_ =	shalt  }
0x66: {  	_ =	shalt  }
0x67: {  	_ =	shalt  }
0x68: {  	_ =	shalt  }
0x69: {  	_ =	shalt  }
0x6a: {  	_ =	shalt  }
0x6b: {  	_ =	shalt  }
0x6c: {  	_ =	shalt  }
0x6d: {  	_ =	shalt  }
0x6e: {  	_ =	shalt  }
0x6f: {  	_ =	shalt  }
0x70: {  	_ =	shalt  }
0x71: {  	_ =	shalt  }
0x72: {  	_ =	shalt  }
0x73: {  	_ =	shalt  }
0x74: {  	_ =	shalt  }
0x75: {  	_ =	shalt  }
0x76: {  	_ =	shalt  }
0x77: {  	_ =	shalt  }
0x78: {  	_ =	shalt  }
0x79: {  	_ =	shalt  }
0x7a: {  	_ =	shalt  }
0x7b: {  	_ =	shalt  }
0x7c: {  	_ =	shalt  }
0x7d: {  	_ =	shalt  }
0x7e: {  	_ =	shalt  }
0x7f: {  	_ =	shalt  }
0x80: {  	_ =	shalt  }
0x81: {  	_ =	shalt  }
0x82: {  	_ =	shalt  }
0x83: {  	_ =	shalt  }
0x84: {  	_ =	shalt  }
0x85: {  	_ =	shalt  }
0x86: {  	_ =	shalt  }
0x87: {  	_ =	shalt  }
.Lfunc_end0:
.L_simem_size_0:
called_computation_lowered:
.L_overlay_start_0:
0x88: {  	s2 =	sld [smem:$0x3FD9]  }
0x89: {  	s3 =	sld [smem:$0x3FFE];
	_ =	sdelay $0x1  }
0x8a: {  	s1 =	srdreg.scid  }
0x8b: {  	s0 =	sand.u32 $0x1, s1  }
0x8c: {  	s17 =	sshll.u32 s0, $0xA;
	s2 =	sadd.s32 s3, s2  }
0x8d: {  	s2 =	sadd.s32 s2, s17  }
0x8e: {  	[smem:$0x3FC4] =	sst s2  }
0x8f: {  	_ = 	snop  }
0x90: {  	s2 =	sld [smem:$0x3FC9]  }
0x91: {  	s18 =	sld [smem:$0x3FC8]  }
0x92: {  	s4 =	sld [smem:$0x3FC7]  }
0x93: {  	s5 =	sld [smem:$0x3FC6];
	(tm) =	ssettm $0x1  }
0x94: {  	s6 =	sld [smem:$0x3FFB];
	_ =	sdelay $0x3  }
0x95: {  	_ =	strace s6  }
0x96: {  	s6 =	sld [smem:$0x3FFC];
	_ =	sdelay $0x3  }
0x97: {  	_ =	strace s6  }
0x98: {  	s6 =	sld [smem:$0x3FFD];
	_ =	sdelay $0x3  }
0x99: {  	_ =	strace s6  }
0x9a: {  	_ =	strace $0x8FFFFFFF  }
0x9b: {  	s19 =	sld [smem:$0x3FDB];
	_ =	sdelay $0x1  }
0x9c: {  	s7 =	simm.s32 $_scs_section_size  }
0x9d: {  	s8 =	simm.s32 $_size__tile_overlayer_lowered;
	s9 =	simm.s32 $_tile_overlayer_lowered  }
0x9e: {  	s22 =	simm.s32 $0x1BFF;
	s21 =	sshll.u32 s9, $0x1;
	s6 =	sadd.s32 s7, s19  }
0x9f: {  	s10 =	simm.s32 $0x0;
	s20 =	sshll.u32 s8, $0x1;
	s8 =	sadd.s32 s21, s6  }
0xa0: {  	[timem:s10], [sflag:s22] =	dma.local [hbm:s8], s20  }
0xa1: {  	_ =	swait.ge [sflag:s22], s20  }
0xa2: {  	s7 =	ssub.s32 $0x0, s20;
	[sflag:s22] =	ssyncset.done $0x0  }
0xa3: {  	[sflag:s22] =	ssyncadd.s32 s7;
	_ =	sdelay $0x1  }
0xa4: {  	s23 =	simm.s32 $0x1B8B  }
0xa5: {  	_ =	swait.ge [sflag:s23], $0x1  }
0xa6: {  	[sflag:s23] =	ssyncset.done $0x0  }
0xa7: {  	s25 =	simm.s32 $0x1B8E;
	s24 =	sld [smem:$0x3FFE];
	[sflag:s23] =	ssyncadd.s32 $0xFFFFFFFF  }
0xa8: {  	s26 =	simm.s32 $execute0_lowered;
	[smem:$0x3FD2] =	sst s25  }
0xa9: {  	s8 =	sshll.u32 s26, $0x1;
	_ =	strace $0x80000046;
	[dreg:$0x1] =	wrdreg $0xFFFFFFFF  }
0xaa: {  	s28 =	simm.s32 $_size_execute0_lowered;
	s6 =	sadd.s32 s6, s8;
	[dreg:$0x0] =	wrdreg $0x0  }
0xab: {  	s8 =	sshll.u32 s28, $0x1;
	[dreg:$0x2] =	wrdreg s6  }
0xac: {  	[dreg:$0x3] =	wrdreg s8  }
0xad: {  	[dreg:$0x4] =	wrdreg $0xC0  }
0xae: {  	_ =	task [dreg:s10], $0x5FFFF  }
0xaf: {  	[dreg:$0x1] =	wrdreg $0xFFFFFFFF  }
0xb0: {  	[dreg:$0x0] =	wrdreg $0x60  }
0xb1: {  	[dreg:$0x2] =	wrdreg s2  }
0xb2: {  	[dreg:$0x3] =	wrdreg s18  }
0xb3: {  	[dreg:$0x4] =	wrdreg s4  }
0xb4: {  	[dreg:$0x5] =	wrdreg s5  }
0xb5: {  	[dreg:$0x6] =	wrdreg s24  }
0xb6: {  	[dreg:$0x7] =	wrdreg $0x9  }
0xb7: {  	_ =	task.clear_ibuf [dreg:s10], $0x8FFFF;
	_ =	strace $0x90000046  }
0xb8: {  	s29 =	simm.s32 $0x9;
	_ =	strace $0x80000048  }
0xb9: {  	_ =	swait.ge [sflag:s29], $0x1  }
0xba: {  	[sflag:s29] =	ssyncadd.s32 $0xFFFFFFFF  }
0xbb: {  	_ =	strace $0x90000048  }
0xbc: {  	_ =	sfence  }
0xbd: {  	s30 =	sld [smem:$0x0];
	_ =	sdelay $0x2  }
0xbe: {  	s31 =	sshll.u32 s1, $0xD;
	s1 =	sshrl.u32 s1, $0x2  }
0xbf: {  	s3 =	sand.u32 $0x4000, s31;
	s1 =	sadd.s32 s1, s30  }
0xc0: {  	s0 =	sor.u32 s3, s0;
	s1 =	sshll.u32 s1, $0x11  }
0xc1: {  	s0 =	sor.u32 s1, s0  }
0xc2: {  	s0 =	sadd.s32 $0x8F2B, s0  }
0xc3: {  	[sflag:s0] =	ssyncadd.remote.s32 $0x1  }
0xc4: {  	_ =	sfence.sel $0xFFFF  }
0xc5: {  	[dreg:$0x0] =	wrdreg $0xFFFFFFFF;
	(pc) =	sbr.abs _section_cstart, $3  }
0xc6: {  	[dreg:$0x1] =	wrdreg $0xFFFFFFFF  }
0xc7: {  	_ =	task.clear_ibuf [dreg:s10], $0x2FFFF;
	_ =	strace $0x9FFFFFFF  }
0xc8: {  	(tm) =	ssettm $0x7FFFFFFF  }
0xc9: {  	_ =	shalt  }
tec
execute0_lowered:
.L_overlay_start_1:
0x0: {  	(tag) =	ssettag $0x1  }
0x1: {  	s5 =	rddreg [dreg:$0x0]  }
0x2: {  	s7 =	rddreg [dreg:$0x1]  }
0x3: {  	s6 =	rddreg [dreg:$0x2]  }
0x4: {  	s8 =	rddreg [dreg:$0x3]  }
0x5: {  	s3 =	rddreg [dreg:$0x4]  }
0x6: {  	s0 =	rddreg [dreg:$0x5];
	s4 =	srdreg.scid  }
0x7: {  	s1 =	stileid.u32;
	s2 =	simm.s32 $0x0;
	s14 =	simm.s32 $0x1000  }
0x8: {  	s15 =	simm.s32 $0x3000;
	s16 =	simm.s32 $0x4000;
	s17 =	simm.s32 $0x5  }
0x9: {  	s18 =	simm.s32 $0x4080;
	s19 =	simm.s32 $0x1;
	s20 =	simm.s32 $0x3  }
0xa: {  	s21 =	simm.s32 $0x2;
	s22 =	simm.s32 $0x4;
	s23 =	simm.s32 $0x4100  }
0xb: {  	s24 =	simm.s32 $0x0;
	s4 =	sand.u32 $0x1, s4;
	s9 =	sshll.u32 s1, $0x1  }
0xc: {  	[smem:$0x7FF] =	sst s2;
	s9 =	sor.u32 s4, s9;
	s4 =	ssub.s32 $0x2, s4  }
0xd: {  	_ =	strace $0x80000047;
	s10 =	sshll.u32 s9, $0x4;
	s31 =	sshrl.u32 s4, $0x1  }
0xe: {  	s9 =	sshll.u32 s9, $0x7;
	s11 =	sadd.s32 s10, s3;
	s12 =	ssub.s32 s4, s31  }
0xf: {  	s3 =	sadd.s32 s5, s9;
	s13 =	sor.u32 $0x10000, s9;
	s4 =	sadd.s32 s6, s9  }
0x10: {  	s7 =	sadd.s32 s7, s10;
	s8 =	sadd.s32 s8, s10;
	s5 =	sadd.s32 s5, s13  }
0x11: {  	s6 =	sadd.s32 s6, s13;
	s9 =	sadd.s32 $0xC00, s11;
	s10 =	smax.u32 s12, $0x1  }
0x12: {  	s11 =	simm.s32 $0x400;
	s12 =	simm.s32 $0x20000;
	s13 =	simm.s32 $0x2000  }
.LBB2_1:
0x13: {  	[tilespmem:s2], [sflag:$0x1] =	stream.strided.gather [hbm4b:s3+s11], $0x1000, s12, s11, $0x38;
	[tilespmem:$0x4180] =	vst v63  }
0x14: {  	_ = 	snop  }
0x15: {  	[tilespmem:s13], [sflag:$0x3] =	stream.strided.gather [hbm4b:s4+s11], $0x1000, s12, s11, $0x38;
	[tilespmem:$0x4180] =	vst v63  }
0x16: {  	_ = 	snop  }
0x17: {  	[tilespmem:s14], [sflag:$0x2] =	stream.strided.gather [hbm4b:s5+s11], $0x1000, s12, s11, $0x38;
	[tilespmem:$0x4180] =	vst v63  }
0x18: {  	_ = 	snop  }
0x19: {  	[tilespmem:s15], [sflag:$0x4] =	stream.strided.gather [hbm4b:s6+s11], $0x1000, s12, s11, $0x38;
	[tilespmem:$0x4180] =	vst v63  }
0x1a: {  	_ = 	snop  }
0x1b: {  	[tilespmem:s16], [sflag:$0x5] =	stream.linear.gather [hbm4b:s7+s2], $0x80, $0x38;
	[tilespmem:$0x4180] =	vst v63  }
0x1c: {  	_ =	swait.ge [sflag:s17], $0x80  }
0x1d: {  	[sflag:s17] =	ssyncset.done $0x0  }
0x1e: {  	[sflag:s17] =	ssyncadd.s32 $0xFFFFFF80  }
0x1f: {  	[tilespmem:s18], [sflag:$0x5] =	stream.linear.gather [hbm4b:s8+s2], $0x80, $0x38;
	[tilespmem:$0x4180] =	vst v63  }
0x20: {  	_ =	swait.ge [sflag:s17], $0x80  }
0x21: {  	[sflag:s17] =	ssyncset.done $0x0  }
0x22: {  	[sflag:s17] =	ssyncadd.s32 $0xFFFFFF80  }
0x23: {  	_ =	swait.ge [sflag:s19], $0x1000  }
0x24: {  	[sflag:s19] =	ssyncset.done $0x0  }
0x25: {  	[sflag:s19] =	ssyncadd.s32 $0xFFFFF000  }
0x26: {  	_ =	swait.ge [sflag:s20], $0x1000  }
0x27: {  	[sflag:s20] =	ssyncset.done $0x0  }
0x28: {  	s25 =	simm.s32 $0x0;
	[sflag:s20] =	ssyncadd.s32 $0xFFFFF000  }
0x29: {  	v8 =	vld [tilespmem:s25+$0xE00]  }
0x2a: {  	v9 =	vld [tilespmem:s25+$0x2E00]  }
0x2b: {  	v10 =	vld [tilespmem:s25+$0xE80]  }
0x2c: {  	v11 =	vld [tilespmem:s25+$0x2E80]  }
0x2d: {  	v0 =	vld [tilespmem:s25+$0xF00]  }
0x2e: {  	v1 =	vld [tilespmem:s25+$0x2F00]  }
0x2f: {  	v14 =	vld [tilespmem:s25+$0xC00]  }
0x30: {  	v15 =	vld [tilespmem:s25+$0x2C00]  }
0x31: {  	v18 =	vld [tilespmem:s25+$0xC80]  }
0x32: {  	v19 =	vld [tilespmem:s25+$0x2C80]  }
0x33: {  	v2 =	vld [tilespmem:s25+$0xD00]  }
0x34: {  	v3 =	vld [tilespmem:s25+$0x2D00]  }
0x35: {  	v42 =	vld [tilespmem:s25+$0xA00]  }
0x36: {  	v43 =	vld [tilespmem:s25+$0x2A00]  }
0x37: {  	v44 =	vld [tilespmem:s25+$0xA80]  }
0x38: {  	v45 =	vld [tilespmem:s25+$0x2A80]  }
0x39: {  	v4 =	vld [tilespmem:s25+$0xB00]  }
0x3a: {  	v5 =	vld [tilespmem:s25+$0x2B00]  }
0x3b: {  	v46 =	vld [tilespmem:s25+$0x800]  }
0x3c: {  	v47 =	vld [tilespmem:s25+$0x2800]  }
0x3d: {  	v48 =	vld [tilespmem:s25+$0x880]  }
0x3e: {  	v49 =	vld [tilespmem:s25+$0x2880]  }
0x3f: {  	v6 =	vld [tilespmem:s25+$0x900]  }
0x40: {  	v7 =	vld [tilespmem:s25+$0x2900]  }
0x41: {  	v20 =	vld [tilespmem:s25+$0x600]  }
0x42: {  	v21 =	vld [tilespmem:s25+$0x2600]  }
0x43: {  	v22 =	vld [tilespmem:s25+$0x680]  }
0x44: {  	v23 =	vld [tilespmem:s25+$0x2680]  }
0x45: {  	v12 =	vld [tilespmem:s25+$0x700]  }
0x46: {  	v13 =	vld [tilespmem:s25+$0x2700]  }
0x47: {  	v24 =	vld [tilespmem:s25+$0x400]  }
0x48: {  	v25 =	vld [tilespmem:s25+$0x2400]  }
0x49: {  	v26 =	vld [tilespmem:s25+$0x480]  }
0x4a: {  	v27 =	vld [tilespmem:s25+$0x2480]  }
0x4b: {  	v16 =	vld [tilespmem:s25+$0x500]  }
0x4c: {  	v17 =	vld [tilespmem:s25+$0x2500]  }
0x4d: {  	v28 =	vld [tilespmem:s25+$0x0]  }
0x4e: {  	v29 =	vld [tilespmem:s25+$0x2000]  }
0x4f: {  	v30 =	vld [tilespmem:s25+$0x80]  }
0x50: {  	v32 =	vld [tilespmem:s25+$0x2080]  }
0x51: {  	v31 =	vld [tilespmem:s25+$0x100]  }
0x52: {  	v33 =	vld [tilespmem:s25+$0x2100]  }
0x53: {  	v34 =	vld [tilespmem:s25+$0x180]  }
0x54: {  	v36 =	vld [tilespmem:s25+$0x2180]  }
0x55: {  	v35 =	vld [tilespmem:s25+$0x200]  }
0x56: {  	v37 =	vld [tilespmem:s25+$0x2200]  }
0x57: {  	v38 =	vld [tilespmem:s25+$0x280]  }
0x58: {  	v39 =	vld [tilespmem:s25+$0x2280];
	v8 =	vmul.f32 v9, v8;
	v9 =	vmul.f32 v11, v10  }
0x59: {  	v40 =	vld [tilespmem:s25+$0x300];
	v10 =	vmul.f32 v15, v14;
	v11 =	vmul.f32 v19, v18  }
0x5a: {  	v41 =	vld [tilespmem:s25+$0x2300];
	v14 =	vmul.f32 v43, v42;
	v15 =	vmul.f32 v45, v44  }
0x5b: {  	s26 =	simm.s32 $0x40;
	v42 =	vld [tilespmem:s25+$0x380];
	v18 =	vmul.f32 v47, v46;
	v19 =	vmul.f32 v49, v48  }
.LBB2_2:
0x5c: {  	p0 =	sne.s32 s26, $0x1C0;
	v43 =	vld [tilespmem:s25+$0x2380];
	v20 =	vmul.f32 v21, v20;
	v21 =	vmul.f32 v23, v22  }
0x5d: {  	v22 =	vmul.f32 v25, v24;
	v23 =	vmul.f32 v27, v26;
	v24 =	vld [tilespmem:s25+$0x580]  }
0x5e: {  	v25 =	vmul.f32 v29, v28;
	v26 =	vmul.f32 v32, v30;
	v27 =	vld [tilespmem:s25+$0x2580]  }
0x5f: {  	v28 =	vmul.f32 v33, v31;
	v29 =	vmul.f32 v36, v34;
	v30 =	vld [tilespmem:s25+$0x780]  }
0x60: {  	v31 =	vmul.f32 v37, v35;
	v32 =	vmul.f32 v39, v38;
	v33 =	vld [tilespmem:s25+$0x2780]  }
0x61: {  	v34 =	vmul.f32 v41, v40;
	v35 =	vmul.f32 v43, v42;
	v36 =	vld [tilespmem:s25+$0x980]  }
0x62: {  	v16 =	vmul.f32 v17, v16;
	v25 =	vadd.f32 v31, v25;
	v26 =	vadd.f32 v32, v26;
	v17 =	vld [tilespmem:s25+$0x2980]  }
0x63: {  	v28 =	vadd.f32 v34, v28;
	v29 =	vadd.f32 v35, v29;
	v24 =	vmul.f32 v27, v24;
	v27 =	vld [tilespmem:s25+$0xB80]  }
0x64: {  	v12 =	vmul.f32 v13, v12;
	v22 =	vadd.f32 v22, v25;
	v23 =	vadd.f32 v23, v26;
	v13 =	vld [tilespmem:s25+$0x2B80]  }
0x65: {  	v16 =	vadd.f32 v16, v28;
	v24 =	vadd.f32 v24, v29;
	v25 =	vmul.f32 v33, v30;
	v26 =	vld [tilespmem:s25+$0xD80]  }
0x66: {  	v6 =	vmul.f32 v7, v6;
	v20 =	vadd.f32 v20, v22;
	v21 =	vadd.f32 v21, v23;
	v7 =	vld [tilespmem:s25+$0x2D80]  }
0x67: {  	v12 =	vadd.f32 v12, v16;
	v16 =	vadd.f32 v25, v24;
	v17 =	vmul.f32 v17, v36;
	v22 =	vld [tilespmem:s25+$0xF80]  }
0x68: {  	v4 =	vmul.f32 v5, v4;
	v18 =	vadd.f32 v18, v20;
	v19 =	vadd.f32 v19, v21;
	v5 =	vld [tilespmem:s25+$0x2F80]  }
0x69: {  	v6 =	vadd.f32 v6, v12;
	v12 =	vadd.f32 v17, v16;
	v13 =	vmul.f32 v13, v27;
	v16 =	vld [tilespmem:s25+$0x4000]  }
0x6a: {  	s28 =	sshra.s32 s26, $0x2;
	v2 =	vmul.f32 v3, v2;
	v14 =	vadd.f32 v14, v18;
	v15 =	vadd.f32 v15, v19;
	v3 =	vld [tilespmem:s25+$0x4080]  }
0x6b: {  	v4 =	vadd.f32 v4, v6;
	v18 =	vld [tilespmem:s28+$0xE00];
	v6 =	vadd.f32 v13, v12;
	v7 =	vmul.f32 v7, v26  }
0x6c: {  	v1 =	vmul.f32 v1, v0;
	v10 =	vadd.f32 v10, v14;
	v11 =	vadd.f32 v11, v15;
	v19 =	vld [tilespmem:s28+$0x2E00]  }
0x6d: {  	v2 =	vadd.f32 v2, v4;
	v14 =	vld [tilespmem:s28+$0xE80];
	v4 =	vadd.f32 v7, v6;
	v5 =	vmul.f32 v5, v22  }
0x6e: {  	v6 =	vadd.f32 v8, v10;
	v7 =	vadd.f32 v9, v11;
	v15 =	vld [tilespmem:s28+$0x2E80]  }
0x6f: {  	v2 =	vadd.f32 v1, v2;
	v0 =	vld [tilespmem:s28+$0xF00];
	v4 =	vadd.f32 v5, v4  }
0x70: {  	v1 =	vld [tilespmem:s28+$0x2F00]  }
0x71: {  	v5 =	vadd.f32 v7, v6;
	v10 =	vld [tilespmem:s28+$0xC00];
	v2 =	vadd.f32 v4, v2  }
0x72: {  	v11 =	vld [tilespmem:s28+$0x2C00]  }
0x73: {  	v3 =	vadd.f32 v3, v16;
	v41 =	vld [tilespmem:s28+$0xC80];
	v4 =	vadd.f32 v2, v5  }
0x74: {  	v42 =	vld [tilespmem:s28+$0x2C80]  }
0x75: {  	v2 =	vld [tilespmem:s28+$0xD00];
	v4 =	vadd.f32 v4, v3  }
0x76: {  	v3 =	vld [tilespmem:s28+$0x2D00]  }
0x77: {  	v43 =	vld [tilespmem:s28+$0xA00];
	[tilespmem:s25+$0x4100] =	vst v4;
	s25 =	smov.u32 s28  }
0x78: {  	v44 =	vld [tilespmem:s25+$0x2A00]  }
0x79: {  	v45 =	vld [tilespmem:s25+$0xA80]  }
0x7a: {  	v46 =	vld [tilespmem:s25+$0x2A80]  }
0x7b: {  	v4 =	vld [tilespmem:s25+$0xB00]  }
0x7c: {  	v5 =	vld [tilespmem:s25+$0x2B00]  }
0x7d: {  	v47 =	vld [tilespmem:s25+$0x800]  }
0x7e: {  	v48 =	vld [tilespmem:s25+$0x2800]  }
0x7f: {  	v49 =	vld [tilespmem:s25+$0x880]  }
0x80: {  	v50 =	vld [tilespmem:s25+$0x2880]  }
0x81: {  	v6 =	vld [tilespmem:s25+$0x900]  }
0x82: {  	v7 =	vld [tilespmem:s25+$0x2900]  }
0x83: {  	v20 =	vld [tilespmem:s25+$0x600]  }
0x84: {  	v21 =	vld [tilespmem:s25+$0x2600]  }
0x85: {  	v22 =	vld [tilespmem:s25+$0x680]  }
0x86: {  	v23 =	vld [tilespmem:s25+$0x2680]  }
0x87: {  	v12 =	vld [tilespmem:s25+$0x700]  }
0x88: {  	v13 =	vld [tilespmem:s25+$0x2700]  }
0x89: {  	v24 =	vld [tilespmem:s25+$0x400]  }
0x8a: {  	v25 =	vld [tilespmem:s25+$0x2400]  }
0x8b: {  	v26 =	vld [tilespmem:s25+$0x480]  }
0x8c: {  	v27 =	vld [tilespmem:s25+$0x2480]  }
0x8d: {  	v16 =	vld [tilespmem:s25+$0x500]  }
0x8e: {  	v17 =	vld [tilespmem:s25+$0x2500]  }
0x8f: {  	v28 =	vld [tilespmem:s25+$0x0]  }
0x90: {  	v29 =	vld [tilespmem:s25+$0x2000]  }
0x91: {  	v30 =	vld [tilespmem:s25+$0x80]  }
0x92: {  	v32 =	vld [tilespmem:s25+$0x2080]  }
0x93: {  	v31 =	vld [tilespmem:s25+$0x100]  }
0x94: {  	v33 =	vld [tilespmem:s25+$0x2100]  }
0x95: {  	v34 =	vld [tilespmem:s25+$0x180]  }
0x96: {  	v36 =	vld [tilespmem:s25+$0x2180]  }
0x97: {  	v35 =	vld [tilespmem:s25+$0x200]  }
0x98: {  	v37 =	vld [tilespmem:s25+$0x2200]  }
.Ltmp0:
0x99: {  	v38 =	vld [tilespmem:s25+$0x280];
	(pc) =	sbr.rel @p0 .LBB2_2-.Ltmp0, $4  }
0x9a: {  	v8 =	vmul.f32 v19, v18;
	v9 =	vmul.f32 v15, v14;
	v39 =	vld [tilespmem:s25+$0x2280]  }
0x9b: {  	v10 =	vmul.f32 v11, v10;
	v11 =	vmul.f32 v42, v41;
	v40 =	vld [tilespmem:s25+$0x300]  }
0x9c: {  	v14 =	vmul.f32 v44, v43;
	v15 =	vmul.f32 v46, v45;
	v41 =	vld [tilespmem:s25+$0x2300]  }
0x9d: {  	s26 =	sadd.s32 $0x40, s26;
	v18 =	vmul.f32 v48, v47;
	v19 =	vmul.f32 v50, v49;
	v42 =	vld [tilespmem:s25+$0x380]  }
0x9e: {  	v20 =	vmul.f32 v21, v20  }
0x9f: {  	v43 =	vld [tilespmem:s25+$0x2380];
	v21 =	vmul.f32 v23, v22;
	v22 =	vmul.f32 v25, v24  }
0xa0: {  	v23 =	vmul.f32 v27, v26;
	v24 =	vld [tilespmem:s25+$0x580];
	v25 =	vmul.f32 v29, v28  }
0xa1: {  	v26 =	vmul.f32 v32, v30;
	v27 =	vld [tilespmem:s25+$0x2580];
	v28 =	vmul.f32 v33, v31  }
0xa2: {  	v29 =	vmul.f32 v36, v34;
	v30 =	vld [tilespmem:s25+$0x780];
	v31 =	vmul.f32 v37, v35  }
0xa3: {  	v58 =	vld [tilespmem:s25+$0x2780];
	v16 =	vmul.f32 v17, v16;
	v57 =	vmul.f32 v39, v38  }
0xa4: {  	v61 =	vld [tilespmem:s25+$0x980];
	v59 =	vmul.f32 v41, v40;
	v60 =	vmul.f32 v43, v42  }
0xa5: {  	v17 =	vld [tilespmem:s25+$0x2980];
	v12 =	vmul.f32 v13, v12;
	v25 =	vadd.f32 v31, v25;
	v26 =	vadd.f32 v57, v26  }
0xa6: {  	v13 =	vld [tilespmem:s25+$0x2B80];
	v28 =	vadd.f32 v59, v28;
	v24 =	vmul.f32 v27, v24;
	v29 =	vadd.f32 v60, v29  }
0xa7: {  	v6 =	vmul.f32 v7, v6;
	v22 =	vadd.f32 v22, v25;
	v27 =	vld [tilespmem:s25+$0xB80];
	v23 =	vadd.f32 v23, v26  }
0xa8: {  	v7 =	vld [tilespmem:s25+$0x2D80];
	v25 =	vmul.f32 v58, v30;
	v16 =	vadd.f32 v16, v28;
	v24 =	vadd.f32 v24, v29  }
0xa9: {  	v4 =	vmul.f32 v5, v4;
	v26 =	vld [tilespmem:s25+$0xD80];
	v20 =	vadd.f32 v20, v22;
	v21 =	vadd.f32 v21, v23  }
0xaa: {  	v5 =	vld [tilespmem:s25+$0x2F80];
	v17 =	vmul.f32 v17, v61;
	v12 =	vadd.f32 v12, v16;
	v16 =	vadd.f32 v25, v24  }
0xab: {  	v22 =	vld [tilespmem:s25+$0xF80];
	v18 =	vadd.f32 v18, v20;
	v19 =	vadd.f32 v19, v21  }
0xac: {  	v13 =	vmul.f32 v13, v27;
	v6 =	vadd.f32 v6, v12;
	v12 =	vadd.f32 v17, v16  }
0xad: {  	v2 =	vmul.f32 v3, v2;
	v14 =	vadd.f32 v14, v18;
	v15 =	vadd.f32 v15, v19  }
0xae: {  	v3 =	vadd.f32 v4, v6;
	v6 =	vmul.f32 v7, v26;
	v4 =	vadd.f32 v13, v12  }
0xaf: {  	v0 =	vmul.f32 v1, v0;
	v7 =	vadd.f32 v10, v14;
	v10 =	vadd.f32 v11, v15  }
0xb0: {  	v1 =	vld [tilespmem:s25+$0x4000];
	v2 =	vadd.f32 v2, v3;
	v3 =	vadd.f32 v6, v4;
	v4 =	vmul.f32 v5, v22  }
0xb1: {  	v5 =	vld [tilespmem:s25+$0x4080];
	v6 =	vadd.f32 v8, v7;
	v7 =	vadd.f32 v9, v10  }
0xb2: {  	v0 =	vadd.f32 v0, v2;
	v2 =	vadd.f32 v4, v3;
	_ =	sdelay $0x1  }
0xb3: {  	v3 =	vadd.f32 v7, v6;
	v0 =	vadd.f32 v2, v0;
	_ =	sdelay $0x1  }
0xb4: {  	v1 =	vadd.f32 v5, v1;
	v0 =	vadd.f32 v0, v3;
	_ =	sdelay $0x1  }
0xb5: {  	v0 =	vadd.f32 v0, v1;
	_ =	sdelay $0x1  }
0xb6: {  	[tilespmem:s25+$0x4100] =	vst v0  }
0xb7: {  	_ =	swait.ge [sflag:s21], $0x1000  }
0xb8: {  	[sflag:s21] =	ssyncset.done $0x0  }
0xb9: {  	[sflag:s21] =	ssyncadd.s32 $0xFFFFF000  }
0xba: {  	_ =	swait.ge [sflag:s22], $0x1000  }
0xbb: {  	[sflag:s22] =	ssyncset.done $0x0  }
0xbc: {  	s25 =	simm.s32 $0x0;
	[sflag:s22] =	ssyncadd.s32 $0xFFFFF000  }
0xbd: {  	v8 =	vld [tilespmem:s25+$0x1E00]  }
0xbe: {  	v9 =	vld [tilespmem:s25+$0x3E00]  }
0xbf: {  	v10 =	vld [tilespmem:s25+$0x1E80]  }
0xc0: {  	v11 =	vld [tilespmem:s25+$0x3E80]  }
0xc1: {  	v0 =	vld [tilespmem:s25+$0x1F00]  }
0xc2: {  	v1 =	vld [tilespmem:s25+$0x3F00]  }
0xc3: {  	v14 =	vld [tilespmem:s25+$0x1C00]  }
0xc4: {  	v15 =	vld [tilespmem:s25+$0x3C00]  }
0xc5: {  	v18 =	vld [tilespmem:s25+$0x1C80]  }
0xc6: {  	v19 =	vld [tilespmem:s25+$0x3C80]  }
0xc7: {  	v2 =	vld [tilespmem:s25+$0x1D00]  }
0xc8: {  	v3 =	vld [tilespmem:s25+$0x3D00]  }
0xc9: {  	v62 =	vld [tilespmem:s25+$0x1A00]  }
0xca: {  	v63 =	vld [tilespmem:s25+$0x3A00]  }
0xcb: {  	v44 =	vld [tilespmem:s25+$0x1A80]  }
0xcc: {  	v45 =	vld [tilespmem:s25+$0x3A80]  }
0xcd: {  	v4 =	vld [tilespmem:s25+$0x1B00]  }
0xce: {  	v5 =	vld [tilespmem:s25+$0x3B00]  }
0xcf: {  	v46 =	vld [tilespmem:s25+$0x1800]  }
0xd0: {  	v47 =	vld [tilespmem:s25+$0x3800]  }
0xd1: {  	v48 =	vld [tilespmem:s25+$0x1880]  }
0xd2: {  	v49 =	vld [tilespmem:s25+$0x3880]  }
0xd3: {  	v6 =	vld [tilespmem:s25+$0x1900]  }
0xd4: {  	v7 =	vld [tilespmem:s25+$0x3900]  }
0xd5: {  	v20 =	vld [tilespmem:s25+$0x1600]  }
0xd6: {  	v21 =	vld [tilespmem:s25+$0x3600]  }
0xd7: {  	v22 =	vld [tilespmem:s25+$0x1680]  }
0xd8: {  	v23 =	vld [tilespmem:s25+$0x3680]  }
0xd9: {  	v12 =	vld [tilespmem:s25+$0x1700]  }
0xda: {  	v13 =	vld [tilespmem:s25+$0x3700]  }
0xdb: {  	v24 =	vld [tilespmem:s25+$0x1400]  }
0xdc: {  	v25 =	vld [tilespmem:s25+$0x3400]  }
0xdd: {  	v26 =	vld [tilespmem:s25+$0x1480]  }
0xde: {  	v27 =	vld [tilespmem:s25+$0x3480]  }
0xdf: {  	v16 =	vld [tilespmem:s25+$0x1500]  }
0xe0: {  	v17 =	vld [tilespmem:s25+$0x3500]  }
0xe1: {  	v28 =	vld [tilespmem:s25+$0x1000]  }
0xe2: {  	v29 =	vld [tilespmem:s25+$0x3000]  }
0xe3: {  	v30 =	vld [tilespmem:s25+$0x1080]  }
0xe4: {  	v32 =	vld [tilespmem:s25+$0x3080]  }
0xe5: {  	v31 =	vld [tilespmem:s25+$0x1100]  }
0xe6: {  	v33 =	vld [tilespmem:s25+$0x3100]  }
0xe7: {  	v34 =	vld [tilespmem:s25+$0x1180]  }
0xe8: {  	v36 =	vld [tilespmem:s25+$0x3180]  }
0xe9: {  	v35 =	vld [tilespmem:s25+$0x1200]  }
0xea: {  	v37 =	vld [tilespmem:s25+$0x3200]  }
0xeb: {  	v38 =	vld [tilespmem:s25+$0x1280]  }
0xec: {  	v39 =	vld [tilespmem:s25+$0x3280];
	v8 =	vmul.f32 v9, v8;
	v9 =	vmul.f32 v11, v10  }
0xed: {  	v40 =	vld [tilespmem:s25+$0x1300];
	v10 =	vmul.f32 v15, v14;
	v11 =	vmul.f32 v19, v18  }
0xee: {  	v41 =	vld [tilespmem:s25+$0x3300];
	v14 =	vmul.f32 v63, v62;
	v15 =	vmul.f32 v45, v44  }
0xef: {  	s26 =	simm.s32 $0x40;
	v42 =	vld [tilespmem:s25+$0x1380];
	v18 =	vmul.f32 v47, v46;
	v19 =	vmul.f32 v49, v48  }
.LBB2_4:
0xf0: {  	p0 =	sne.s32 s26, $0x1C0;
	v43 =	vld [tilespmem:s25+$0x3380];
	v20 =	vmul.f32 v21, v20;
	v21 =	vmul.f32 v23, v22  }
0xf1: {  	v22 =	vmul.f32 v25, v24;
	v23 =	vmul.f32 v27, v26;
	v24 =	vld [tilespmem:s25+$0x1580]  }
0xf2: {  	v25 =	vmul.f32 v29, v28;
	v26 =	vmul.f32 v32, v30;
	v27 =	vld [tilespmem:s25+$0x3580]  }
0xf3: {  	v28 =	vmul.f32 v33, v31;
	v29 =	vmul.f32 v36, v34;
	v30 =	vld [tilespmem:s25+$0x1780]  }
0xf4: {  	v31 =	vmul.f32 v37, v35;
	v32 =	vmul.f32 v39, v38;
	v33 =	vld [tilespmem:s25+$0x3780]  }
0xf5: {  	v34 =	vmul.f32 v41, v40;
	v35 =	vmul.f32 v43, v42;
	v36 =	vld [tilespmem:s25+$0x1980]  }
0xf6: {  	v16 =	vmul.f32 v17, v16;
	v25 =	vadd.f32 v31, v25;
	v26 =	vadd.f32 v32, v26;
	v17 =	vld [tilespmem:s25+$0x3980]  }
0xf7: {  	v28 =	vadd.f32 v34, v28;
	v29 =	vadd.f32 v35, v29;
	v24 =	vmul.f32 v27, v24;
	v27 =	vld [tilespmem:s25+$0x1B80]  }
0xf8: {  	v12 =	vmul.f32 v13, v12;
	v22 =	vadd.f32 v22, v25;
	v23 =	vadd.f32 v23, v26;
	v13 =	vld [tilespmem:s25+$0x3B80]  }
0xf9: {  	v16 =	vadd.f32 v16, v28;
	v24 =	vadd.f32 v24, v29;
	v25 =	vmul.f32 v33, v30;
	v26 =	vld [tilespmem:s25+$0x1D80]  }
0xfa: {  	v6 =	vmul.f32 v7, v6;
	v20 =	vadd.f32 v20, v22;
	v21 =	vadd.f32 v21, v23;
	v7 =	vld [tilespmem:s25+$0x3D80]  }
0xfb: {  	v12 =	vadd.f32 v12, v16;
	v16 =	vadd.f32 v25, v24;
	v17 =	vmul.f32 v17, v36;
	v22 =	vld [tilespmem:s25+$0x1F80]  }
0xfc: {  	s28 =	sshra.s32 s26, $0x2;
	v4 =	vmul.f32 v5, v4;
	v18 =	vadd.f32 v18, v20;
	v19 =	vadd.f32 v19, v21;
	v5 =	vld [tilespmem:s25+$0x3F80]  }
0xfd: {  	v6 =	vadd.f32 v6, v12;
	v40 =	vld [tilespmem:s28+$0x1E00];
	v12 =	vadd.f32 v17, v16;
	v13 =	vmul.f32 v13, v27  }
0xfe: {  	v2 =	vmul.f32 v3, v2;
	v14 =	vadd.f32 v14, v18;
	v15 =	vadd.f32 v15, v19;
	v41 =	vld [tilespmem:s28+$0x3E00]  }
0xff: {  	v3 =	vadd.f32 v4, v6;
	v18 =	vld [tilespmem:s28+$0x1E80];
	v4 =	vadd.f32 v13, v12;
	v6 =	vmul.f32 v7, v26  }
0x100: {  	v7 =	vadd.f32 v10, v14;
	v10 =	vadd.f32 v11, v15;
	v11 =	vmul.f32 v1, v0;
	v19 =	vld [tilespmem:s28+$0x3E80]  }
0x101: {  	v2 =	vadd.f32 v2, v3;
	v0 =	vld [tilespmem:s28+$0x1F00];
	v3 =	vadd.f32 v6, v4;
	v4 =	vmul.f32 v5, v22  }
0x102: {  	v5 =	vadd.f32 v8, v7;
	v6 =	vadd.f32 v9, v10;
	v1 =	vld [tilespmem:s28+$0x3F00]  }
0x103: {  	v2 =	vadd.f32 v11, v2;
	v10 =	vld [tilespmem:s28+$0x1C00];
	v3 =	vadd.f32 v4, v3  }
0x104: {  	v4 =	vld [tilespmem:s25+$0x4100]  }
0x105: {  	v5 =	vadd.f32 v6, v5;
	v11 =	vld [tilespmem:s28+$0x3C00];
	v2 =	vadd.f32 v3, v2  }
0x106: {  	v14 =	vld [tilespmem:s28+$0x1C80]  }
0x107: {  	v15 =	vld [tilespmem:s28+$0x3C80];
	v5 =	vadd.f32 v2, v5  }
0x108: {  	v2 =	vld [tilespmem:s28+$0x1D00]  }
0x109: {  	v3 =	vld [tilespmem:s28+$0x3D00];
	v4 =	vadd.f32 v5, v4  }
0x10a: {  	v42 =	vld [tilespmem:s28+$0x1A00]  }
0x10b: {  	v43 =	vld [tilespmem:s28+$0x3A00];
	[tilespmem:s25+$0x4100] =	vst v4;
	s25 =	smov.u32 s28  }
0x10c: {  	v44 =	vld [tilespmem:s25+$0x1A80]  }
0x10d: {  	v45 =	vld [tilespmem:s25+$0x3A80]  }
0x10e: {  	v4 =	vld [tilespmem:s25+$0x1B00]  }
0x10f: {  	v5 =	vld [tilespmem:s25+$0x3B00]  }
0x110: {  	v46 =	vld [tilespmem:s25+$0x1800]  }
0x111: {  	v47 =	vld [tilespmem:s25+$0x3800]  }
0x112: {  	v48 =	vld [tilespmem:s25+$0x1880]  }
0x113: {  	v49 =	vld [tilespmem:s25+$0x3880]  }
0x114: {  	v6 =	vld [tilespmem:s25+$0x1900]  }
0x115: {  	v7 =	vld [tilespmem:s25+$0x3900]  }
0x116: {  	v20 =	vld [tilespmem:s25+$0x1600]  }
0x117: {  	v21 =	vld [tilespmem:s25+$0x3600]  }
0x118: {  	v22 =	vld [tilespmem:s25+$0x1680]  }
0x119: {  	v23 =	vld [tilespmem:s25+$0x3680]  }
0x11a: {  	v12 =	vld [tilespmem:s25+$0x1700]  }
0x11b: {  	v13 =	vld [tilespmem:s25+$0x3700]  }
0x11c: {  	v24 =	vld [tilespmem:s25+$0x1400]  }
0x11d: {  	v25 =	vld [tilespmem:s25+$0x3400]  }
0x11e: {  	v26 =	vld [tilespmem:s25+$0x1480]  }
0x11f: {  	v27 =	vld [tilespmem:s25+$0x3480]  }
0x120: {  	v16 =	vld [tilespmem:s25+$0x1500]  }
0x121: {  	v17 =	vld [tilespmem:s25+$0x3500]  }
0x122: {  	v28 =	vld [tilespmem:s25+$0x1000]  }
0x123: {  	v29 =	vld [tilespmem:s25+$0x3000]  }
0x124: {  	v30 =	vld [tilespmem:s25+$0x1080]  }
0x125: {  	v32 =	vld [tilespmem:s25+$0x3080]  }
0x126: {  	v31 =	vld [tilespmem:s25+$0x1100]  }
0x127: {  	v33 =	vld [tilespmem:s25+$0x3100]  }
0x128: {  	v34 =	vld [tilespmem:s25+$0x1180]  }
0x129: {  	v36 =	vld [tilespmem:s25+$0x3180]  }
0x12a: {  	v35 =	vld [tilespmem:s25+$0x1200]  }
0x12b: {  	v37 =	vld [tilespmem:s25+$0x3200]  }
.Ltmp1:
0x12c: {  	v38 =	vld [tilespmem:s25+$0x1280];
	(pc) =	sbr.rel @p0 .LBB2_4-.Ltmp1, $4  }
0x12d: {  	v8 =	vmul.f32 v41, v40;
	v9 =	vmul.f32 v19, v18;
	v39 =	vld [tilespmem:s25+$0x3280]  }
0x12e: {  	v10 =	vmul.f32 v11, v10;
	v11 =	vmul.f32 v15, v14;
	v40 =	vld [tilespmem:s25+$0x1300]  }
0x12f: {  	v14 =	vmul.f32 v43, v42;
	v15 =	vmul.f32 v45, v44;
	v41 =	vld [tilespmem:s25+$0x3300]  }
0x130: {  	s26 =	sadd.s32 $0x40, s26;
	v18 =	vmul.f32 v47, v46;
	v19 =	vmul.f32 v49, v48;
	v42 =	vld [tilespmem:s25+$0x1380]  }
0x131: {  	v43 =	vld [tilespmem:s25+$0x3380];
	v20 =	vmul.f32 v21, v20;
	v49 =	vmul.f32 v23, v22  }
0x132: {  	v50 =	vmul.f32 v25, v24;
	v51 =	vmul.f32 v27, v26;
	v52 =	vld [tilespmem:s25+$0x1580]  }
0x133: {  	v53 =	vmul.f32 v29, v28;
	v54 =	vmul.f32 v32, v30;
	v55 =	vld [tilespmem:s25+$0x3580]  }
0x134: {  	v56 =	vmul.f32 v33, v31;
	v57 =	vmul.f32 v36, v34;
	v58 =	vld [tilespmem:s25+$0x1780]  }
0x135: {  	v59 =	vmul.f32 v37, v35;
	v61 =	vld [tilespmem:s25+$0x3780];
	v60 =	vmul.f32 v39, v38  }
0x136: {  	v62 =	vmul.f32 v41, v40;
	v40 =	vld [tilespmem:s25+$0x1980];
	v63 =	vmul.f32 v43, v42  }
0x137: {  	v16 =	vmul.f32 v17, v16;
	v25 =	vadd.f32 v59, v53;
	v26 =	vadd.f32 v60, v54;
	v41 =	vld [tilespmem:s25+$0x3980]  }
0x138: {  	v28 =	vadd.f32 v62, v56;
	v24 =	vmul.f32 v55, v52;
	v42 =	vld [tilespmem:s25+$0x1B80];
	v29 =	vadd.f32 v63, v57  }
0x139: {  	v12 =	vmul.f32 v13, v12;
	v22 =	vadd.f32 v50, v25;
	v23 =	vadd.f32 v51, v26;
	v43 =	vld [tilespmem:s25+$0x3B80]  }
0x13a: {  	v45 =	vld [tilespmem:s25+$0x1D80];
	v44 =	vmul.f32 v61, v58;
	v16 =	vadd.f32 v16, v28;
	v24 =	vadd.f32 v24, v29  }
0x13b: {  	v6 =	vmul.f32 v7, v6;
	v46 =	vld [tilespmem:s25+$0x3D80];
	v20 =	vadd.f32 v20, v22;
	v21 =	vadd.f32 v49, v23  }
0x13c: {  	v48 =	vld [tilespmem:s25+$0x1F80];
	v17 =	vmul.f32 v41, v40;
	v12 =	vadd.f32 v12, v16;
	v47 =	vadd.f32 v44, v24  }
0x13d: {  	v4 =	vmul.f32 v5, v4;
	v49 =	vld [tilespmem:s25+$0x3F80];
	v18 =	vadd.f32 v18, v20;
	v19 =	vadd.f32 v19, v21  }
0x13e: {  	v13 =	vmul.f32 v43, v42;
	v6 =	vadd.f32 v6, v12;
	v50 =	vadd.f32 v17, v47  }
0x13f: {  	v2 =	vmul.f32 v3, v2;
	v14 =	vadd.f32 v14, v18;
	v15 =	vadd.f32 v15, v19  }
0x140: {  	v53 =	vmul.f32 v46, v45;
	v51 =	vadd.f32 v4, v6;
	v52 =	vadd.f32 v13, v50  }
0x141: {  	v0 =	vmul.f32 v1, v0;
	v54 =	vadd.f32 v10, v14;
	v55 =	vadd.f32 v11, v15  }
0x142: {  	v58 =	vmul.f32 v49, v48;
	v56 =	vadd.f32 v2, v51;
	v57 =	vadd.f32 v53, v52  }
0x143: {  	v59 =	vadd.f32 v8, v54;
	v60 =	vadd.f32 v9, v55  }
0x144: {  	v0 =	vadd.f32 v0, v56;
	v61 =	vadd.f32 v58, v57  }
0x145: {  	v62 =	vld [tilespmem:s25+$0x4100]  }
0x146: {  	v63 =	vadd.f32 v60, v59;
	v0 =	vadd.f32 v61, v0;
	_ =	sdelay $0x1  }
0x147: {  	v0 =	vadd.f32 v0, v63;
	_ =	sdelay $0x1  }
0x148: {  	s24 =	sadd.s32 $0x1, s24;
	v0 =	vadd.f32 v0, v62  }
0x149: {  	p0 =	sne.s32 s24, s10  }
.Ltmp2:
0x14a: {  	[tilespmem:s25+$0x4100] =	vst v0;
	(pc) =	sbr.rel @p0 .LBB2_1-.Ltmp2, $4  }
0x14b: {  	[hbm4b:s9+s2] =	stream.linear.scatter [tilespmem:s23], [sflag:$0x5], $0x80, $0x38;
	[tilespmem:$0x4180] =	vst v63  }
0x14c: {  	_ =	swait.ge [sflag:s17], $0x80  }
0x14d: {  	[sflag:s17] =	ssyncset.done $0x0  }
0x14e: {  	[sflag:s17] =	ssyncadd.s32 $0xFFFFFF80  }
0x14f: {  	_ =	sfence.sel $0x180000  }
0x150: {  	[bflag:$0x0] =	sbarrier.arrive $0xFFFF  }
0x151: {  	p0 =	sne.s32 s1, $0x0;
	_ =	strace $0x90000047  }
0x152: {  	s0 =	sadd.s32 @!p0 $0x100000, s0;
	[bflag:$0x2] =	sbarrier.arrive $0xFFFF  }
0x153: {  	[sflag:s0] =	ssyncadd.tile.s32 @!p0 $0x1;
	_ =	shalt  }
.Lfunc_end2:
_tile_overlayer_lowered:
.L_overlay_start_2:
0x154: {  	(tag) =	ssettag $0x2  }
0x155: {  	s0 =	rddreg [dreg:$0x0];
	s2 =	stileid.u32  }
0x156: {  	s1 =	rddreg [dreg:$0x1];
	p0 =	sne.s32 s2, $0x0  }
0x157: {  	s3 =	rddreg [dreg:$0x2];
	[bflag:$0x3] =	sbarrier.arrive $0xFFFF;
	s2 =	simm.s32 @!p0 $0x1C05  }
0x158: {  	[timem:s3], [sflag:s2] =	dma.local @!p0 [hbm:s0], s1  }
0x159: {  	s0 =	simm.s32 @!p0 $0x5  }
0x15a: {  	_ =	swait.ge @!p0 [sflag:s0], s1  }
0x15b: {  	s1 =	ssub.s32 @!p0 $0x0, s1;
	[sflag:s0] =	ssyncset.done @!p0 $0x0  }
0x15c: {  	[sflag:s0] =	ssyncadd.s32 @!p0 s1  }
0x15d: {  	[bflag:$0x3] =	sbarrier.arrive $0xFFFF  }
0x15e: {  	_ =	shalt  }

</sc_bundles>
